<compile_context>
chip_gen: v7x
topology: tpu7x:2x2x1
jax: 0.10.2.dev20260603
libtpu: 0.0.44.dev20260713+nightly
codegen_flags: <defaults>
</compile_context>

<pallas_src>
import functools

import jax
import jax.numpy as jnp
from jax.experimental import pallas as pl
from jax.experimental.pallas import tpu as pltpu
from jax.experimental.pallas import tpu_sc as plsc

_NUM_CORES = 2
_NUM_SUBCORES = 16
_NUM_WORKERS = _NUM_CORES * _NUM_SUBCORES


def _emb_gather_sc(table, idx, Bt, Lt):
    n = idx.shape[0]
    d = table.shape[1]
    per_w = n // _NUM_WORKERS
    trees_w = per_w // Lt
    n_chunks = 4
    rows_c = per_w // n_chunks
    mesh = plsc.VectorSubcoreMesh(
        core_axis_name="c", subcore_axis_name="s",
        num_cores=_NUM_CORES, num_subcores=_NUM_SUBCORES)

    @functools.partial(
        pl.kernel,
        mesh=mesh,
        out_type=jax.ShapeDtypeStruct((n, d), table.dtype),
        scratch_types=[
            pltpu.VMEM((per_w,), jnp.int32),
            pltpu.VMEM((n_chunks, rows_c), jnp.int32),
            pltpu.VMEM((rows_c, d), table.dtype),
            pltpu.VMEM((rows_c, d), table.dtype),
            pltpu.SemaphoreType.DMA,
            pltpu.SemaphoreType.DMA,
            pltpu.SemaphoreType.DMA,
        ],
    )
    def gather_kernel(table_hbm, idx_hbm, out_hbm, idx_v, oidx_v, buf0, buf1,
                      gsem, ssem0, ssem1):
        wid = jax.lax.axis_index("s") * _NUM_CORES + jax.lax.axis_index("c")
        base = wid * per_w
        pltpu.sync_copy(idx_hbm.at[pl.ds(base, per_w)], idx_v)
        lane = jax.lax.iota(jnp.int32, 16)
        for c in range(n_chunks):
            for j in range(rows_c // 16):
                i0 = c * rows_c + j * 16
                orow = (lane + (i0 % Lt)) * Bt + wid * trees_w + i0 // Lt
                oidx_v[c, pl.ds(j * 16, 16)] = orow
        bufs = (buf0, buf1)
        ssems = (ssem0, ssem1)
        scats = [None, None]
        for c in range(n_chunks):
            b = c % 2
            if scats[b] is not None:
                scats[b].wait()
            pltpu.async_copy(
                table_hbm.at[idx_v.at[pl.ds(c * rows_c, rows_c)]],
                bufs[b], gsem).wait()
            scats[b] = pltpu.async_copy(
                bufs[b], out_hbm.at[oidx_v.at[c]], ssems[b])
        scats[0].wait()
        scats[1].wait()

    return gather_kernel(table, idx)


def _recurrence(emb_all, meta, lens2, worlds, U, V, interpret=False):
    L, B, _two = meta.shape
    D = emb_all.shape[1]
    H = D // 2

    def body(emb_ref, args_ref, lens_ref, worlds_ref, U_ref, V_ref,
             out_ref, S_ref, cib_ref, meta_ref):
        meta_ref[...] = jnp.transpose(args_ref[...], (1, 0, 2))
        wmean = jnp.mean(worlds_ref[...], axis=0, keepdims=True)
        ctx = jnp.dot(wmean, V_ref[...],
                      preferred_element_type=jnp.float32)
        S_ref[0] = jnp.zeros((B, D), jnp.float32)
        lens = jnp.maximum(lens_ref[...], 1)
        Um = U_ref[...]
        col = jax.lax.broadcasted_iota(jnp.int32, (3, 3 * D), 1) // D
        row = jax.lax.broadcasted_iota(jnp.int32, (3, 3 * D), 0)
        Wb = (col == row).astype(jnp.float32)
        zh = jnp.zeros((B, H), jnp.float32)

        def mk_cib(s):
            nf = jnp.asarray(s + 1, jnp.float32)
            af = meta_ref[s].astype(jnp.float32)
            q = jnp.floor(af / nf + 1e-3)
            cif = af - nf * q
            ci0 = cif[:, 0:1]
            ci1 = cif[:, 1:2]
            dup = ci0 == ci1
            ci1p = jnp.where(dup, -1.0, ci1)
            dsc = jnp.where(dup, 2.0, 1.0)
            lhs = jnp.concatenate([ci0, ci1p, dsc], axis=1)
            return jnp.dot(lhs, Wb, preferred_element_type=jnp.float32)

        cib_ref[0] = mk_cib(0)

        def one_step(s, cur, nxt, out_acc):
            c0L = cib_ref[cur, :, 0:H]
            c0H = cib_ref[cur, :, H:D]
            c1L = cib_ref[cur, :, D:D + H]
            c1H = cib_ref[cur, :, D + H:2 * D]

            def blk(j, carry):
                aL, aH = carry
                for t in range(8):
                    k = j * 8 + t
                    kf = k.astype(jnp.float32)
                    s_k = S_ref[k]
                    aL = aL + jnp.where((c0L == kf) | (c1L == kf),
                                        s_k[:, :H], 0.0)
                    aH = aH + jnp.where((c0H == kf) | (c1H == kf),
                                        s_k[:, H:], 0.0)
                return aL, aH

            aL, aH = jax.lax.fori_loop(0, s // 8 + 1, blk, (zh, zh))
            lr = (jnp.concatenate([aL, aH], axis=1)
                  * cib_ref[cur, :, 2 * D:])
            pre = emb_ref[pl.ds(s * B, B), :] + jnp.dot(
                lr, Um, preferred_element_type=jnp.float32)
            h = jnp.where(s < lens, jnp.tanh(pre + ctx), 0.0)
            S_ref[s + 1] = h
            cib_ref[nxt] = mk_cib(jnp.minimum(s + 1, L - 1))
            return jnp.where(lens == s + 1, h, out_acc)

        def pair(i, out_acc):
            out_acc = one_step(2 * i, 0, 1, out_acc)
            return one_step(2 * i + 1, 1, 0, out_acc)

        out_ref[...] = jax.lax.fori_loop(0, L // 2, pair,
                                         jnp.zeros((B, D), jnp.float32))

    return pl.pallas_call(
        body,
        out_shape=jax.ShapeDtypeStruct((B, D), jnp.float32),
        scratch_shapes=[pltpu.VMEM((L + 1, B, D), jnp.float32),
                        pltpu.VMEM((2, B, 3 * D), jnp.float32),
                        pltpu.VMEM((L, B, 2), jnp.int32)],
        interpret=interpret,
    )(emb_all, meta, lens2, worlds, U, V)


def kernel(worlds, symbols, args, lengths, E_sym, U, V):
    B, L = symbols.shape
    D = E_sym.shape[1]
    sym_flat = symbols.reshape(-1)
    emb_all = _emb_gather_sc(E_sym, sym_flat, B, L)
    meta = args
    lens2 = lengths.reshape(B, 1)
    return _recurrence(emb_all, meta, lens2, worlds, U, V)

# --- scband reference (transcript-rebuilt; emitter-appended) ---
"""Pipeline reference for scband-tree-nets-49950469653360 (READ-ONLY COPY).

The authoritative reference and input builder live on the scoring server;
editing this copy changes nothing except your own understanding.
"""

import jax, jax.numpy as jnp
import numpy as np

B = 64
L = 64
N_WORLDS = 1024
D = 256
VOCAB = 10000

def setup_inputs(seed: int = 0) -> dict:
    key = jax.random.key(seed)
    k = jax.random.split(key, 7)
    worlds = jax.random.normal(k[0], (N_WORLDS, D), dtype=jnp.float32)
    symbols = jax.random.randint(k[1], (B, L), 0, VOCAB, dtype=jnp.int32)
    args = jax.random.randint(k[2], (B, L, 2), 0, L, dtype=jnp.int32)
    lengths = jax.random.randint(k[3], (B,), 0, L, dtype=jnp.int32)
    E_sym = jax.random.normal(k[4], (VOCAB, D), dtype=jnp.float32) * 0.02
    U = jax.random.normal(k[5], (D, D), dtype=jnp.float32) * (1.0 / np.sqrt(D))
    V = jax.random.normal(k[6], (D, D), dtype=jnp.float32) * (1.0 / np.sqrt(D))
    return {"worlds": worlds, "symbols": symbols, "args": args,
            "lengths": lengths, "E_sym": E_sym, "U": U, "V": V}

def reference(worlds, symbols, args, lengths, E_sym, U, V):
    # Dense-batched TreeNets: at step s, every still-active tree consumes
    # symbol s, gathers two previously computed states (arg offsets resolved
    # into the computed_states stack, index 0 = zero 'leaf' state), applies
    # the cell, and the final per-tree state is gathered at (len-1, t)
    # (the gather_nd over stacked computed_states in the original).
    Bb, Ll = symbols.shape
    d = E_sym.shape[1]
    lens = jnp.maximum(lengths, 1)
    world_ctx = jnp.mean(worlds, axis=0) @ V  # [d], world conditioning
    states = [jnp.zeros((Bb, d), dtype=worlds.dtype)]  # index 0 = leaf pad
    rows = jnp.arange(Bb)
    for s in range(Ll):
        stack = jnp.stack(states, axis=0)            # [s+1, B, d]
        ci = args[:, s, :] % (s + 1)                 # child indices into stack
        left = stack[ci[:, 0], rows]                 # [B, d] ragged gather
        right = stack[ci[:, 1], rows]                # [B, d]
        emb = jnp.take(E_sym, symbols[:, s], axis=0) # [B, d]
        new_state = jnp.tanh(emb + left @ U + right @ U + world_ctx)
        mask = (s < lens)[:, None]
        new_state = jnp.where(mask, new_state, jnp.zeros_like(new_state))
        states.append(new_state)
    all_states = jnp.stack(states[1:], axis=0)       # [L, B, d]
    out = all_states[lens - 1, rows]                 # gather_nd((len-1, t))
    return out

if __name__ == "__main__":
    import jax
    _d = setup_inputs()
    print(jax.jit(kernel)(*tuple(_d.values())))

</pallas_src>

<mosaic_0001>
#map = affine_map<(d0, d1) -> (0, 0)>
#map1 = affine_map<(d0, d1) -> (0)>
module attributes {stable_mosaic.version = 14 : i64} {
  func.func @gather_kernel(%arg0: i32, %arg1: i32, %arg2: memref<10000x256xf32, #tpu.memory_space<hbm>>, %arg3: memref<4096xi32, #tpu.memory_space<hbm>>, %arg4: memref<4096x256xf32, #tpu.memory_space<hbm>>, %arg5: memref<128xi32, #tpu.memory_space<vmem>>, %arg6: memref<4x32xi32, #tpu.memory_space<vmem>>, %arg7: memref<32x256xf32, #tpu.memory_space<vmem>>, %arg8: memref<32x256xf32, #tpu.memory_space<vmem>>, %arg9: memref<!tpu.dma_semaphore, #tpu.memory_space<semaphore_mem>>, %arg10: memref<!tpu.dma_semaphore, #tpu.memory_space<semaphore_mem>>, %arg11: memref<!tpu.dma_semaphore, #tpu.memory_space<semaphore_mem>>) attributes {dimension_semantics = [#tpu.dimension_semantics<core_parallel>, #tpu.dimension_semantics<subcore_parallel>], iteration_bounds = array<i64: 2, 16>, scalar_prefetch = 0 : i64, scratch_operands = 7 : i64, tpu.core_type = #tpu.core_type<sc_vector_subcore>, window_params = [{transform_indices = #map}, {transform_indices = #map1}, {transform_indices = #map}]} {
    %mul3A = arith.constant 2 : i32
    %mul3A_0 = arith.muli %arg1, %mul3A : i32
    %add3A = arith.addi %mul3A_0, %arg0 : i32
    %mul3A_1 = arith.constant 128 : i32
    %mul3A_2 = arith.muli %add3A, %mul3A_1 : i32
    "tpu.region"() ({
      %run_scoped3A = tpu.sem_alloc : memref<!tpu.dma_semaphore, #tpu.memory_space<semaphore_mem>>
      %dma_start3A_248 = tpu.memref_slice %arg3[%mul3A_2] : memref<4096xi32, #tpu.memory_space<hbm>> -> memref<128xi32, #tpu.memory_space<hbm>>
      %dma_start3A_249 = tpu.memref_slice %arg3[%mul3A_2] : memref<4096xi32, #tpu.memory_space<hbm>> -> memref<128xi32, #tpu.memory_space<hbm>>
      tpu.enqueue_dma source(%dma_start3A_249 : memref<128xi32, #tpu.memory_space<hbm>>) target(%arg5 : memref<128xi32, #tpu.memory_space<vmem>>) target_semaphore(%run_scoped3A : memref<!tpu.dma_semaphore, #tpu.memory_space<semaphore_mem>>)
      %dma_wait3A_250 = tpu.memref_slice %arg3[%mul3A_2] : memref<4096xi32, #tpu.memory_space<hbm>> -> memref<128xi32, #tpu.memory_space<hbm>>
      %dma_wait3A_251 = tpu.memref_slice %arg3[%mul3A_2] : memref<4096xi32, #tpu.memory_space<hbm>> -> memref<128xi32, #tpu.memory_space<hbm>>
      tpu.wait_dma2 semaphore(%run_scoped3A : memref<!tpu.dma_semaphore, #tpu.memory_space<semaphore_mem>>) src(%dma_wait3A_251 : memref<128xi32, #tpu.memory_space<hbm>>) dst(%arg5 : memref<128xi32, #tpu.memory_space<vmem>>)
      tpu.yield
    }) : () -> ()
    %iota3A = tpu.iota {dimensions = array<i32: 0>} : vector<16xi32>
    %add3A_3 = arith.constant 0 : i32
    %add3A_4 = vector.broadcast %add3A_3 : i32 to vector<16xi32>
    %add3A_5 = arith.addi %iota3A, %add3A_4 : vector<16xi32>
    %mul3A_6 = arith.constant 64 : i32
    %mul3A_7 = vector.broadcast %mul3A_6 : i32 to vector<16xi32>
    %mul3A_8 = arith.muli %add3A_5, %mul3A_7 : vector<16xi32>
    %mul3A_9 = arith.constant 2 : i32
    %mul3A_10 = arith.muli %add3A, %mul3A_9 : i32
    %add3A_11 = vector.broadcast %mul3A_10 : i32 to vector<16xi32>
    %add3A_12 = arith.addi %mul3A_8, %add3A_11 : vector<16xi32>
    %add3A_13 = arith.constant 0 : i32
    %add3A_14 = vector.broadcast %add3A_13 : i32 to vector<16xi32>
    %add3A_15 = arith.addi %add3A_12, %add3A_14 : vector<16xi32>
    %swap3A = arith.constant 0 : i32
    %swap3A_16 = arith.index_cast %swap3A : i32 to index
    %swap3A_17 = arith.constant 0 : index
    %swap3A_18 = tpu.vector_load %arg6[%swap3A_16, %swap3A_17] {strides = array<i32>} : memref<4x32xi32, #tpu.memory_space<vmem>>, vector<1x16xi32>,
    %swap3A_19 = vector.shape_cast %swap3A_18 : vector<1x16xi32> to vector<16xi32>
    %swap3A_20 = vector.shape_cast %add3A_15 : vector<16xi32> to vector<1x16xi32>
    tpu.vector_store %arg6[%swap3A_16, %swap3A_17], %swap3A_20 {strides = array<i32>} : memref<4x32xi32, #tpu.memory_space<vmem>>, vector<1x16xi32>,
    %add3A_21 = arith.constant 16 : i32
    %add3A_22 = vector.broadcast %add3A_21 : i32 to vector<16xi32>
    %add3A_23 = arith.addi %iota3A, %add3A_22 : vector<16xi32>
    %mul3A_24 = arith.constant 64 : i32
    %mul3A_25 = vector.broadcast %mul3A_24 : i32 to vector<16xi32>
    %mul3A_26 = arith.muli %add3A_23, %mul3A_25 : vector<16xi32>
    %mul3A_27 = arith.constant 2 : i32
    %mul3A_28 = arith.muli %add3A, %mul3A_27 : i32
    %add3A_29 = vector.broadcast %mul3A_28 : i32 to vector<16xi32>
    %add3A_30 = arith.addi %mul3A_26, %add3A_29 : vector<16xi32>
    %add3A_31 = arith.constant 0 : i32
    %add3A_32 = vector.broadcast %add3A_31 : i32 to vector<16xi32>
    %add3A_33 = arith.addi %add3A_30, %add3A_32 : vector<16xi32>
    %swap3A_34 = arith.constant 0 : i32
    %swap3A_35 = arith.index_cast %swap3A_34 : i32 to index
    %swap3A_36 = arith.constant 16 : index
    %swap3A_37 = tpu.vector_load %arg6[%swap3A_35, %swap3A_36] {strides = array<i32>} : memref<4x32xi32, #tpu.memory_space<vmem>>, vector<1x16xi32>,
    %swap3A_38 = vector.shape_cast %swap3A_37 : vector<1x16xi32> to vector<16xi32>
    %swap3A_39 = vector.shape_cast %add3A_33 : vector<16xi32> to vector<1x16xi32>
    tpu.vector_store %arg6[%swap3A_35, %swap3A_36], %swap3A_39 {strides = array<i32>} : memref<4x32xi32, #tpu.memory_space<vmem>>, vector<1x16xi32>,
    %add3A_40 = arith.constant 32 : i32
    %add3A_41 = vector.broadcast %add3A_40 : i32 to vector<16xi32>
    %add3A_42 = arith.addi %iota3A, %add3A_41 : vector<16xi32>
    %mul3A_43 = arith.constant 64 : i32
    %mul3A_44 = vector.broadcast %mul3A_43 : i32 to vector<16xi32>
    %mul3A_45 = arith.muli %add3A_42, %mul3A_44 : vector<16xi32>
    %mul3A_46 = arith.constant 2 : i32
    %mul3A_47 = arith.muli %add3A, %mul3A_46 : i32
    %add3A_48 = vector.broadcast %mul3A_47 : i32 to vector<16xi32>
    %add3A_49 = arith.addi %mul3A_45, %add3A_48 : vector<16xi32>
    %add3A_50 = arith.constant 0 : i32
    %add3A_51 = vector.broadcast %add3A_50 : i32 to vector<16xi32>
    %add3A_52 = arith.addi %add3A_49, %add3A_51 : vector<16xi32>
    %swap3A_53 = arith.constant 1 : i32
    %swap3A_54 = arith.index_cast %swap3A_53 : i32 to index
    %swap3A_55 = arith.constant 0 : index
    %swap3A_56 = tpu.vector_load %arg6[%swap3A_54, %swap3A_55] {strides = array<i32>} : memref<4x32xi32, #tpu.memory_space<vmem>>, vector<1x16xi32>,
    %swap3A_57 = vector.shape_cast %swap3A_56 : vector<1x16xi32> to vector<16xi32>
    %swap3A_58 = vector.shape_cast %add3A_52 : vector<16xi32> to vector<1x16xi32>
    tpu.vector_store %arg6[%swap3A_54, %swap3A_55], %swap3A_58 {strides = array<i32>} : memref<4x32xi32, #tpu.memory_space<vmem>>, vector<1x16xi32>,
    %add3A_59 = arith.constant 48 : i32
    %add3A_60 = vector.broadcast %add3A_59 : i32 to vector<16xi32>
    %add3A_61 = arith.addi %iota3A, %add3A_60 : vector<16xi32>
    %mul3A_62 = arith.constant 64 : i32
    %mul3A_63 = vector.broadcast %mul3A_62 : i32 to vector<16xi32>
    %mul3A_64 = arith.muli %add3A_61, %mul3A_63 : vector<16xi32>
    %mul3A_65 = arith.constant 2 : i32
    %mul3A_66 = arith.muli %add3A, %mul3A_65 : i32
    %add3A_67 = vector.broadcast %mul3A_66 : i32 to vector<16xi32>
    %add3A_68 = arith.addi %mul3A_64, %add3A_67 : vector<16xi32>
    %add3A_69 = arith.constant 0 : i32
    %add3A_70 = vector.broadcast %add3A_69 : i32 to vector<16xi32>
    %add3A_71 = arith.addi %add3A_68, %add3A_70 : vector<16xi32>
    %swap3A_72 = arith.constant 1 : i32
    %swap3A_73 = arith.index_cast %swap3A_72 : i32 to index
    %swap3A_74 = arith.constant 16 : index
    %swap3A_75 = tpu.vector_load %arg6[%swap3A_73, %swap3A_74] {strides = array<i32>} : memref<4x32xi32, #tpu.memory_space<vmem>>, vector<1x16xi32>,
    %swap3A_76 = vector.shape_cast %swap3A_75 : vector<1x16xi32> to vector<16xi32>
    %swap3A_77 = vector.shape_cast %add3A_71 : vector<16xi32> to vector<1x16xi32>
    tpu.vector_store %arg6[%swap3A_73, %swap3A_74], %swap3A_77 {strides = array<i32>} : memref<4x32xi32, #tpu.memory_space<vmem>>, vector<1x16xi32>,
    %add3A_78 = arith.constant 0 : i32
    %add3A_79 = vector.broadcast %add3A_78 : i32 to vector<16xi32>
    %add3A_80 = arith.addi %iota3A, %add3A_79 : vector<16xi32>
    %mul3A_81 = arith.constant 64 : i32
    %mul3A_82 = vector.broadcast %mul3A_81 : i32 to vector<16xi32>
    %mul3A_83 = arith.muli %add3A_80, %mul3A_82 : vector<16xi32>
    %mul3A_84 = arith.constant 2 : i32
    %mul3A_85 = arith.muli %add3A, %mul3A_84 : i32
    %add3A_86 = vector.broadcast %mul3A_85 : i32 to vector<16xi32>
    %add3A_87 = arith.addi %mul3A_83, %add3A_86 : vector<16xi32>
    %add3A_88 = arith.constant 1 : i32
    %add3A_89 = vector.broadcast %add3A_88 : i32 to vector<16xi32>
    %add3A_90 = arith.addi %add3A_87, %add3A_89 : vector<16xi32>
    %swap3A_91 = arith.constant 2 : i32
    %swap3A_92 = arith.index_cast %swap3A_91 : i32 to index
    %swap3A_93 = arith.constant 0 : index
    %swap3A_94 = tpu.vector_load %arg6[%swap3A_92, %swap3A_93] {strides = array<i32>} : memref<4x32xi32, #tpu.memory_space<vmem>>, vector<1x16xi32>,
    %swap3A_95 = vector.shape_cast %swap3A_94 : vector<1x16xi32> to vector<16xi32>
    %swap3A_96 = vector.shape_cast %add3A_90 : vector<16xi32> to vector<1x16xi32>
    tpu.vector_store %arg6[%swap3A_92, %swap3A_93], %swap3A_96 {strides = array<i32>} : memref<4x32xi32, #tpu.memory_space<vmem>>, vector<1x16xi32>,
    %add3A_97 = arith.constant 16 : i32
    %add3A_98 = vector.broadcast %add3A_97 : i32 to vector<16xi32>
    %add3A_99 = arith.addi %iota3A, %add3A_98 : vector<16xi32>
    %mul3A_100 = arith.constant 64 : i32
    %mul3A_101 = vector.broadcast %mul3A_100 : i32 to vector<16xi32>
    %mul3A_102 = arith.muli %add3A_99, %mul3A_101 : vector<16xi32>
    %mul3A_103 = arith.constant 2 : i32
    %mul3A_104 = arith.muli %add3A, %mul3A_103 : i32
    %add3A_105 = vector.broadcast %mul3A_104 : i32 to vector<16xi32>
    %add3A_106 = arith.addi %mul3A_102, %add3A_105 : vector<16xi32>
    %add3A_107 = arith.constant 1 : i32
    %add3A_108 = vector.broadcast %add3A_107 : i32 to vector<16xi32>
    %add3A_109 = arith.addi %add3A_106, %add3A_108 : vector<16xi32>
    %swap3A_110 = arith.constant 2 : i32
    %swap3A_111 = arith.index_cast %swap3A_110 : i32 to index
    %swap3A_112 = arith.constant 16 : index
    %swap3A_113 = tpu.vector_load %arg6[%swap3A_111, %swap3A_112] {strides = array<i32>} : memref<4x32xi32, #tpu.memory_space<vmem>>, vector<1x16xi32>,
    %swap3A_114 = vector.shape_cast %swap3A_113 : vector<1x16xi32> to vector<16xi32>
    %swap3A_115 = vector.shape_cast %add3A_109 : vector<16xi32> to vector<1x16xi32>
    tpu.vector_store %arg6[%swap3A_111, %swap3A_112], %swap3A_115 {strides = array<i32>} : memref<4x32xi32, #tpu.memory_space<vmem>>, vector<1x16xi32>,
    %add3A_116 = arith.constant 32 : i32
    %add3A_117 = vector.broadcast %add3A_116 : i32 to vector<16xi32>
    %add3A_118 = arith.addi %iota3A, %add3A_117 : vector<16xi32>
    %mul3A_119 = arith.constant 64 : i32
    %mul3A_120 = vector.broadcast %mul3A_119 : i32 to vector<16xi32>
    %mul3A_121 = arith.muli %add3A_118, %mul3A_120 : vector<16xi32>
    %mul3A_122 = arith.constant 2 : i32
    %mul3A_123 = arith.muli %add3A, %mul3A_122 : i32
    %add3A_124 = vector.broadcast %mul3A_123 : i32 to vector<16xi32>
    %add3A_125 = arith.addi %mul3A_121, %add3A_124 : vector<16xi32>
    %add3A_126 = arith.constant 1 : i32
    %add3A_127 = vector.broadcast %add3A_126 : i32 to vector<16xi32>
    %add3A_128 = arith.addi %add3A_125, %add3A_127 : vector<16xi32>
    %swap3A_129 = arith.constant 3 : i32
    %swap3A_130 = arith.index_cast %swap3A_129 : i32 to index
    %swap3A_131 = arith.constant 0 : index
    %swap3A_132 = tpu.vector_load %arg6[%swap3A_130, %swap3A_131] {strides = array<i32>} : memref<4x32xi32, #tpu.memory_space<vmem>>, vector<1x16xi32>,
    %swap3A_133 = vector.shape_cast %swap3A_132 : vector<1x16xi32> to vector<16xi32>
    %swap3A_134 = vector.shape_cast %add3A_128 : vector<16xi32> to vector<1x16xi32>
    tpu.vector_store %arg6[%swap3A_130, %swap3A_131], %swap3A_134 {strides = array<i32>} : memref<4x32xi32, #tpu.memory_space<vmem>>, vector<1x16xi32>,
    %add3A_135 = arith.constant 48 : i32
    %add3A_136 = vector.broadcast %add3A_135 : i32 to vector<16xi32>
    %add3A_137 = arith.addi %iota3A, %add3A_136 : vector<16xi32>
    %mul3A_138 = arith.constant 64 : i32
    %mul3A_139 = vector.broadcast %mul3A_138 : i32 to vector<16xi32>
    %mul3A_140 = arith.muli %add3A_137, %mul3A_139 : vector<16xi32>
    %mul3A_141 = arith.constant 2 : i32
    %mul3A_142 = arith.muli %add3A, %mul3A_141 : i32
    %add3A_143 = vector.broadcast %mul3A_142 : i32 to vector<16xi32>
    %add3A_144 = arith.addi %mul3A_140, %add3A_143 : vector<16xi32>
    %add3A_145 = arith.constant 1 : i32
    %add3A_146 = vector.broadcast %add3A_145 : i32 to vector<16xi32>
    %add3A_147 = arith.addi %add3A_144, %add3A_146 : vector<16xi32>
    %swap3A_148 = arith.constant 3 : i32
    %swap3A_149 = arith.index_cast %swap3A_148 : i32 to index
    %swap3A_150 = arith.constant 16 : index
    %swap3A_151 = tpu.vector_load %arg6[%swap3A_149, %swap3A_150] {strides = array<i32>} : memref<4x32xi32, #tpu.memory_space<vmem>>, vector<1x16xi32>,
    %swap3A_152 = vector.shape_cast %swap3A_151 : vector<1x16xi32> to vector<16xi32>
    %swap3A_153 = vector.shape_cast %add3A_147 : vector<16xi32> to vector<1x16xi32>
    tpu.vector_store %arg6[%swap3A_149, %swap3A_150], %swap3A_153 {strides = array<i32>} : memref<4x32xi32, #tpu.memory_space<vmem>>, vector<1x16xi32>,
    %dma_start3A = arith.constant 0 : i32
    %dma_start3A_154 = tpu.memref_slice %arg5[%dma_start3A] : memref<128xi32, #tpu.memory_space<vmem>> -> memref<32xi32, #tpu.memory_space<vmem>>
    %dma_start3A_155 = arith.constant 0 : i32
    %dma_start3A_156 = arith.constant 0 : i32
    %dma_start3A_157 = tpu.memref_slice %arg2[%dma_start3A_155, %dma_start3A_156] : memref<10000x256xf32, #tpu.memory_space<hbm>> -> memref<10000x256xf32, #tpu.memory_space<hbm>>
    tpu.enqueue_indirect_dma source(%dma_start3A_157 : memref<10000x256xf32, #tpu.memory_space<hbm>>) target(%arg7 : memref<32x256xf32, #tpu.memory_space<vmem>>) offsets(%dma_start3A_154 : memref<32xi32, #tpu.memory_space<vmem>>) semaphore(%arg9 : memref<!tpu.dma_semaphore, #tpu.memory_space<semaphore_mem>>)
    %dma_wait3A = arith.constant 0 : i32
    %dma_wait3A_158 = tpu.memref_slice %arg5[%dma_wait3A] : memref<128xi32, #tpu.memory_space<vmem>> -> memref<32xi32, #tpu.memory_space<vmem>>
    %dma_wait3A_159 = arith.constant 0 : i32
    %dma_wait3A_160 = arith.constant 0 : i32
    %dma_wait3A_161 = tpu.memref_slice %arg2[%dma_wait3A_159, %dma_wait3A_160] : memref<10000x256xf32, #tpu.memory_space<hbm>> -> memref<10000x256xf32, #tpu.memory_space<hbm>>
    tpu.wait_indirect_dma semaphore(%arg9 : memref<!tpu.dma_semaphore, #tpu.memory_space<semaphore_mem>>) src(%dma_wait3A_161 : memref<10000x256xf32, #tpu.memory_space<hbm>>) dst(%arg7 : memref<32x256xf32, #tpu.memory_space<vmem>>)
    %dma_start3A_162 = arith.constant 0 : i32
    %dma_start3A_163 = arith.constant 0 : i32
    %dma_start3A_164 = tpu.memref_slice %arg6[%dma_start3A_162, %dma_start3A_163] : memref<4x32xi32, #tpu.memory_space<vmem>> -> memref<1x32xi32, #tpu.memory_space<vmem>>
    %dma_start3A_165 = tpu.memref_squeeze %dma_start3A_164 : memref<1x32xi32, #tpu.memory_space<vmem>> -> memref<32xi32, #tpu.memory_space<vmem>>
    %dma_start3A_166 = arith.constant 0 : i32
    %dma_start3A_167 = arith.constant 0 : i32
    %dma_start3A_168 = tpu.memref_slice %arg4[%dma_start3A_166, %dma_start3A_167] : memref<4096x256xf32, #tpu.memory_space<hbm>> -> memref<4096x256xf32, #tpu.memory_space<hbm>>
    tpu.enqueue_indirect_dma source(%arg7 : memref<32x256xf32, #tpu.memory_space<vmem>>) target(%dma_start3A_168 : memref<4096x256xf32, #tpu.memory_space<hbm>>) offsets(%dma_start3A_165 : memref<32xi32, #tpu.memory_space<vmem>>) semaphore(%arg10 : memref<!tpu.dma_semaphore, #tpu.memory_space<semaphore_mem>>)
    %dma_start3A_169 = arith.constant 32 : i32
    %dma_start3A_170 = tpu.memref_slice %arg5[%dma_start3A_169] : memref<128xi32, #tpu.memory_space<vmem>> -> memref<32xi32, #tpu.memory_space<vmem>>
    %dma_start3A_171 = arith.constant 0 : i32
    %dma_start3A_172 = arith.constant 0 : i32
    %dma_start3A_173 = tpu.memref_slice %arg2[%dma_start3A_171, %dma_start3A_172] : memref<10000x256xf32, #tpu.memory_space<hbm>> -> memref<10000x256xf32, #tpu.memory_space<hbm>>
    tpu.enqueue_indirect_dma source(%dma_start3A_173 : memref<10000x256xf32, #tpu.memory_space<hbm>>) target(%arg8 : memref<32x256xf32, #tpu.memory_space<vmem>>) offsets(%dma_start3A_170 : memref<32xi32, #tpu.memory_space<vmem>>) semaphore(%arg9 : memref<!tpu.dma_semaphore, #tpu.memory_space<semaphore_mem>>)
    %dma_wait3A_174 = arith.constant 32 : i32
    %dma_wait3A_175 = tpu.memref_slice %arg5[%dma_wait3A_174] : memref<128xi32, #tpu.memory_space<vmem>> -> memref<32xi32, #tpu.memory_space<vmem>>
    %dma_wait3A_176 = arith.constant 0 : i32
    %dma_wait3A_177 = arith.constant 0 : i32
    %dma_wait3A_178 = tpu.memref_slice %arg2[%dma_wait3A_176, %dma_wait3A_177] : memref<10000x256xf32, #tpu.memory_space<hbm>> -> memref<10000x256xf32, #tpu.memory_space<hbm>>
    tpu.wait_indirect_dma semaphore(%arg9 : memref<!tpu.dma_semaphore, #tpu.memory_space<semaphore_mem>>) src(%dma_wait3A_178 : memref<10000x256xf32, #tpu.memory_space<hbm>>) dst(%arg8 : memref<32x256xf32, #tpu.memory_space<vmem>>)
    %dma_start3A_179 = arith.constant 1 : i32
    %dma_start3A_180 = arith.constant 0 : i32
    %dma_start3A_181 = tpu.memref_slice %arg6[%dma_start3A_179, %dma_start3A_180] : memref<4x32xi32, #tpu.memory_space<vmem>> -> memref<1x32xi32, #tpu.memory_space<vmem>>
    %dma_start3A_182 = tpu.memref_squeeze %dma_start3A_181 : memref<1x32xi32, #tpu.memory_space<vmem>> -> memref<32xi32, #tpu.memory_space<vmem>>
    %dma_start3A_183 = arith.constant 0 : i32
    %dma_start3A_184 = arith.constant 0 : i32
    %dma_start3A_185 = tpu.memref_slice %arg4[%dma_start3A_183, %dma_start3A_184] : memref<4096x256xf32, #tpu.memory_space<hbm>> -> memref<4096x256xf32, #tpu.memory_space<hbm>>
    tpu.enqueue_indirect_dma source(%arg8 : memref<32x256xf32, #tpu.memory_space<vmem>>) target(%dma_start3A_185 : memref<4096x256xf32, #tpu.memory_space<hbm>>) offsets(%dma_start3A_182 : memref<32xi32, #tpu.memory_space<vmem>>) semaphore(%arg11 : memref<!tpu.dma_semaphore, #tpu.memory_space<semaphore_mem>>)
    %dma_wait3A_186 = arith.constant 0 : i32
    %dma_wait3A_187 = arith.constant 0 : i32
    %dma_wait3A_188 = tpu.memref_slice %arg6[%dma_wait3A_186, %dma_wait3A_187] : memref<4x32xi32, #tpu.memory_space<vmem>> -> memref<1x32xi32, #tpu.memory_space<vmem>>
    %dma_wait3A_189 = tpu.memref_squeeze %dma_wait3A_188 : memref<1x32xi32, #tpu.memory_space<vmem>> -> memref<32xi32, #tpu.memory_space<vmem>>
    %dma_wait3A_190 = arith.constant 0 : i32
    %dma_wait3A_191 = arith.constant 0 : i32
    %dma_wait3A_192 = tpu.memref_slice %arg4[%dma_wait3A_190, %dma_wait3A_191] : memref<4096x256xf32, #tpu.memory_space<hbm>> -> memref<4096x256xf32, #tpu.memory_space<hbm>>
    tpu.wait_indirect_dma semaphore(%arg10 : memref<!tpu.dma_semaphore, #tpu.memory_space<semaphore_mem>>) src(%arg7 : memref<32x256xf32, #tpu.memory_space<vmem>>) dst(%dma_wait3A_192 : memref<4096x256xf32, #tpu.memory_space<hbm>>)
    %dma_start3A_193 = arith.constant 64 : i32
    %dma_start3A_194 = tpu.memref_slice %arg5[%dma_start3A_193] : memref<128xi32, #tpu.memory_space<vmem>> -> memref<32xi32, #tpu.memory_space<vmem>>
    %dma_start3A_195 = arith.constant 0 : i32
    %dma_start3A_196 = arith.constant 0 : i32
    %dma_start3A_197 = tpu.memref_slice %arg2[%dma_start3A_195, %dma_start3A_196] : memref<10000x256xf32, #tpu.memory_space<hbm>> -> memref<10000x256xf32, #tpu.memory_space<hbm>>
    tpu.enqueue_indirect_dma source(%dma_start3A_197 : memref<10000x256xf32, #tpu.memory_space<hbm>>) target(%arg7 : memref<32x256xf32, #tpu.memory_space<vmem>>) offsets(%dma_start3A_194 : memref<32xi32, #tpu.memory_space<vmem>>) semaphore(%arg9 : memref<!tpu.dma_semaphore, #tpu.memory_space<semaphore_mem>>)
    %dma_wait3A_198 = arith.constant 64 : i32
    %dma_wait3A_199 = tpu.memref_slice %arg5[%dma_wait3A_198] : memref<128xi32, #tpu.memory_space<vmem>> -> memref<32xi32, #tpu.memory_space<vmem>>
    %dma_wait3A_200 = arith.constant 0 : i32
    %dma_wait3A_201 = arith.constant 0 : i32
    %dma_wait3A_202 = tpu.memref_slice %arg2[%dma_wait3A_200, %dma_wait3A_201] : memref<10000x256xf32, #tpu.memory_space<hbm>> -> memref<10000x256xf32, #tpu.memory_space<hbm>>
    tpu.wait_indirect_dma semaphore(%arg9 : memref<!tpu.dma_semaphore, #tpu.memory_space<semaphore_mem>>) src(%dma_wait3A_202 : memref<10000x256xf32, #tpu.memory_space<hbm>>) dst(%arg7 : memref<32x256xf32, #tpu.memory_space<vmem>>)
    %dma_start3A_203 = arith.constant 2 : i32
    %dma_start3A_204 = arith.constant 0 : i32
    %dma_start3A_205 = tpu.memref_slice %arg6[%dma_start3A_203, %dma_start3A_204] : memref<4x32xi32, #tpu.memory_space<vmem>> -> memref<1x32xi32, #tpu.memory_space<vmem>>
    %dma_start3A_206 = tpu.memref_squeeze %dma_start3A_205 : memref<1x32xi32, #tpu.memory_space<vmem>> -> memref<32xi32, #tpu.memory_space<vmem>>
    %dma_start3A_207 = arith.constant 0 : i32
    %dma_start3A_208 = arith.constant 0 : i32
    %dma_start3A_209 = tpu.memref_slice %arg4[%dma_start3A_207, %dma_start3A_208] : memref<4096x256xf32, #tpu.memory_space<hbm>> -> memref<4096x256xf32, #tpu.memory_space<hbm>>
    tpu.enqueue_indirect_dma source(%arg7 : memref<32x256xf32, #tpu.memory_space<vmem>>) target(%dma_start3A_209 : memref<4096x256xf32, #tpu.memory_space<hbm>>) offsets(%dma_start3A_206 : memref<32xi32, #tpu.memory_space<vmem>>) semaphore(%arg10 : memref<!tpu.dma_semaphore, #tpu.memory_space<semaphore_mem>>)
    %dma_wait3A_210 = arith.constant 1 : i32
    %dma_wait3A_211 = arith.constant 0 : i32
    %dma_wait3A_212 = tpu.memref_slice %arg6[%dma_wait3A_210, %dma_wait3A_211] : memref<4x32xi32, #tpu.memory_space<vmem>> -> memref<1x32xi32, #tpu.memory_space<vmem>>
    %dma_wait3A_213 = tpu.memref_squeeze %dma_wait3A_212 : memref<1x32xi32, #tpu.memory_space<vmem>> -> memref<32xi32, #tpu.memory_space<vmem>>
    %dma_wait3A_214 = arith.constant 0 : i32
    %dma_wait3A_215 = arith.constant 0 : i32
    %dma_wait3A_216 = tpu.memref_slice %arg4[%dma_wait3A_214, %dma_wait3A_215] : memref<4096x256xf32, #tpu.memory_space<hbm>> -> memref<4096x256xf32, #tpu.memory_space<hbm>>
    tpu.wait_indirect_dma semaphore(%arg11 : memref<!tpu.dma_semaphore, #tpu.memory_space<semaphore_mem>>) src(%arg8 : memref<32x256xf32, #tpu.memory_space<vmem>>) dst(%dma_wait3A_216 : memref<4096x256xf32, #tpu.memory_space<hbm>>)
    %dma_start3A_217 = arith.constant 96 : i32
    %dma_start3A_218 = tpu.memref_slice %arg5[%dma_start3A_217] : memref<128xi32, #tpu.memory_space<vmem>> -> memref<32xi32, #tpu.memory_space<vmem>>
    %dma_start3A_219 = arith.constant 0 : i32
    %dma_start3A_220 = arith.constant 0 : i32
    %dma_start3A_221 = tpu.memref_slice %arg2[%dma_start3A_219, %dma_start3A_220] : memref<10000x256xf32, #tpu.memory_space<hbm>> -> memref<10000x256xf32, #tpu.memory_space<hbm>>
    tpu.enqueue_indirect_dma source(%dma_start3A_221 : memref<10000x256xf32, #tpu.memory_space<hbm>>) target(%arg8 : memref<32x256xf32, #tpu.memory_space<vmem>>) offsets(%dma_start3A_218 : memref<32xi32, #tpu.memory_space<vmem>>) semaphore(%arg9 : memref<!tpu.dma_semaphore, #tpu.memory_space<semaphore_mem>>)
    %dma_wait3A_222 = arith.constant 96 : i32
    %dma_wait3A_223 = tpu.memref_slice %arg5[%dma_wait3A_222] : memref<128xi32, #tpu.memory_space<vmem>> -> memref<32xi32, #tpu.memory_space<vmem>>
    %dma_wait3A_224 = arith.constant 0 : i32
    %dma_wait3A_225 = arith.constant 0 : i32
    %dma_wait3A_226 = tpu.memref_slice %arg2[%dma_wait3A_224, %dma_wait3A_225] : memref<10000x256xf32, #tpu.memory_space<hbm>> -> memref<10000x256xf32, #tpu.memory_space<hbm>>
    tpu.wait_indirect_dma semaphore(%arg9 : memref<!tpu.dma_semaphore, #tpu.memory_space<semaphore_mem>>) src(%dma_wait3A_226 : memref<10000x256xf32, #tpu.memory_space<hbm>>) dst(%arg8 : memref<32x256xf32, #tpu.memory_space<vmem>>)
    %dma_start3A_227 = arith.constant 3 : i32
    %dma_start3A_228 = arith.constant 0 : i32
    %dma_start3A_229 = tpu.memref_slice %arg6[%dma_start3A_227, %dma_start3A_228] : memref<4x32xi32, #tpu.memory_space<vmem>> -> memref<1x32xi32, #tpu.memory_space<vmem>>
    %dma_start3A_230 = tpu.memref_squeeze %dma_start3A_229 : memref<1x32xi32, #tpu.memory_space<vmem>> -> memref<32xi32, #tpu.memory_space<vmem>>
    %dma_start3A_231 = arith.constant 0 : i32
    %dma_start3A_232 = arith.constant 0 : i32
    %dma_start3A_233 = tpu.memref_slice %arg4[%dma_start3A_231, %dma_start3A_232] : memref<4096x256xf32, #tpu.memory_space<hbm>> -> memref<4096x256xf32, #tpu.memory_space<hbm>>
    tpu.enqueue_indirect_dma source(%arg8 : memref<32x256xf32, #tpu.memory_space<vmem>>) target(%dma_start3A_233 : memref<4096x256xf32, #tpu.memory_space<hbm>>) offsets(%dma_start3A_230 : memref<32xi32, #tpu.memory_space<vmem>>) semaphore(%arg11 : memref<!tpu.dma_semaphore, #tpu.memory_space<semaphore_mem>>)
    %dma_wait3A_234 = arith.constant 2 : i32
    %dma_wait3A_235 = arith.constant 0 : i32
    %dma_wait3A_236 = tpu.memref_slice %arg6[%dma_wait3A_234, %dma_wait3A_235] : memref<4x32xi32, #tpu.memory_space<vmem>> -> memref<1x32xi32, #tpu.memory_space<vmem>>
    %dma_wait3A_237 = tpu.memref_squeeze %dma_wait3A_236 : memref<1x32xi32, #tpu.memory_space<vmem>> -> memref<32xi32, #tpu.memory_space<vmem>>
    %dma_wait3A_238 = arith.constant 0 : i32
    %dma_wait3A_239 = arith.constant 0 : i32
    %dma_wait3A_240 = tpu.memref_slice %arg4[%dma_wait3A_238, %dma_wait3A_239] : memref<4096x256xf32, #tpu.memory_space<hbm>> -> memref<4096x256xf32, #tpu.memory_space<hbm>>
    tpu.wait_indirect_dma semaphore(%arg10 : memref<!tpu.dma_semaphore, #tpu.memory_space<semaphore_mem>>) src(%arg7 : memref<32x256xf32, #tpu.memory_space<vmem>>) dst(%dma_wait3A_240 : memref<4096x256xf32, #tpu.memory_space<hbm>>)
    %dma_wait3A_241 = arith.constant 3 : i32
    %dma_wait3A_242 = arith.constant 0 : i32
    %dma_wait3A_243 = tpu.memref_slice %arg6[%dma_wait3A_241, %dma_wait3A_242] : memref<4x32xi32, #tpu.memory_space<vmem>> -> memref<1x32xi32, #tpu.memory_space<vmem>>
    %dma_wait3A_244 = tpu.memref_squeeze %dma_wait3A_243 : memref<1x32xi32, #tpu.memory_space<vmem>> -> memref<32xi32, #tpu.memory_space<vmem>>
    %dma_wait3A_245 = arith.constant 0 : i32
    %dma_wait3A_246 = arith.constant 0 : i32
    %dma_wait3A_247 = tpu.memref_slice %arg4[%dma_wait3A_245, %dma_wait3A_246] : memref<4096x256xf32, #tpu.memory_space<hbm>> -> memref<4096x256xf32, #tpu.memory_space<hbm>>
    tpu.wait_indirect_dma semaphore(%arg11 : memref<!tpu.dma_semaphore, #tpu.memory_space<semaphore_mem>>) src(%arg8 : memref<32x256xf32, #tpu.memory_space<vmem>>) dst(%dma_wait3A_247 : memref<4096x256xf32, #tpu.memory_space<hbm>>)
    return
  }
}

module attributes {stable_mosaic.version = 14 : i64} {
  func.func @body(%arg0: memref<4096x256xf32, #tpu.memory_space<vmem>>, %arg1: memref<64x64x2xi32, #tpu.memory_space<vmem>>, %arg2: memref<64x1xi32, #tpu.memory_space<vmem>>, %arg3: memref<1024x256xf32, #tpu.memory_space<vmem>>, %arg4: memref<256x256xf32, #tpu.memory_space<vmem>>, %arg5: memref<256x256xf32, #tpu.memory_space<vmem>>, %arg6: memref<64x256xf32, #tpu.memory_space<vmem>>, %arg7: memref<65x64x256xf32, #tpu.memory_space<vmem>>, %arg8: memref<2x64x768xf32, #tpu.memory_space<vmem>>, %arg9: memref<64x64x2xi32, #tpu.memory_space<vmem>>) attributes {dimension_semantics = [], scalar_prefetch = 0 : i64, scratch_operands = 3 : i64, tpu.core_type = #tpu.core_type<tc>} {
    %get3A = arith.constant 0 : index
    %get3A_0 = arith.constant 0 : index
    %get3A_1 = arith.constant 0 : index
    %get3A_2 = vector.load %arg1[%get3A, %get3A_0, %get3A_1] : memref<64x64x2xi32, #tpu.memory_space<vmem>>, vector<64x64x2xi32>
    %transpose3A = tpu.transpose %get3A_2, [1, 0, 2] : vector<64x64x2xi32> -> vector<64x64x2xi32>
    %swap3A = arith.constant 0 : index
    %swap3A_3 = arith.constant 0 : index
    %swap3A_4 = arith.constant 0 : index
    %swap3A_5 = vector.load %arg9[%swap3A, %swap3A_3, %swap3A_4] : memref<64x64x2xi32, #tpu.memory_space<vmem>>, vector<64x64x2xi32>
    tpu.vector_store %arg9[%swap3A, %swap3A_3, %swap3A_4], %transpose3A {strides = array<i32>} : memref<64x64x2xi32, #tpu.memory_space<vmem>>, vector<64x64x2xi32>,
    %get3A_6 = arith.constant 0 : index
    %get3A_7 = arith.constant 0 : index
    %get3A_8 = vector.load %arg3[%get3A_6, %get3A_7] : memref<1024x256xf32, #tpu.memory_space<vmem>>, vector<1024x256xf32>
    %reduce_sum3A = arith.constant dense<0.000000e+00> : vector<256xf32>
    %reduce_sum3A_9 = vector.multi_reduction <add>, %get3A_8, %reduce_sum3A [0] : vector<1024x256xf32> to vector<256xf32>
    %broadcast_in_dim3A = vector.shape_cast %reduce_sum3A_9 : vector<256xf32> to vector<1x256xf32>
    %div3A = arith.constant 1.024000e+03 : f32
    %div3A_10 = vector.broadcast %div3A : f32 to vector<1x256xf32>
    %div3A_11 = arith.divf %broadcast_in_dim3A, %div3A_10 : vector<1x256xf32>
    %get3A_12 = arith.constant 0 : index
    %get3A_13 = arith.constant 0 : index
    %get3A_14 = vector.load %arg5[%get3A_12, %get3A_13] : memref<256x256xf32, #tpu.memory_space<vmem>>, vector<256x256xf32>
    %dot_general3A = arith.constant dense<0.000000e+00> : vector<1x256xf32>
    %dot_general3A_15 = tpu.matmul %div3A_11, %get3A_14, %dot_general3A {dimension_numbers = #tpu.dot_dimension_numbers<[1], [0], [0], [1], [0, 0, 1, 1], [], []>, transpose_lhs_hint = false} : vector<1x256xf32>, vector<256x256xf32>, vector<1x256xf32> -> vector<1x256xf32>
    %broadcast_in_dim3A_16 = arith.constant 0.000000e+00 : f32
    %broadcast_in_dim3A_17 = vector.broadcast %broadcast_in_dim3A_16 : f32 to vector<64x256xf32>
    %swap3A_18 = arith.constant 0 : index
    %swap3A_19 = arith.constant 0 : index
    %swap3A_20 = arith.constant 0 : index
    %swap3A_21 = vector.load %arg7[%swap3A_18, %swap3A_19, %swap3A_20] : memref<65x64x256xf32, #tpu.memory_space<vmem>>, vector<1x64x256xf32>
    %swap3A_22 = vector.shape_cast %swap3A_21 : vector<1x64x256xf32> to vector<64x256xf32>
    %swap3A_23 = vector.shape_cast %broadcast_in_dim3A_17 : vector<64x256xf32> to vector<1x64x256xf32>
    tpu.vector_store %arg7[%swap3A_18, %swap3A_19, %swap3A_20], %swap3A_23 {strides = array<i32>} : memref<65x64x256xf32, #tpu.memory_space<vmem>>, vector<1x64x256xf32>,
    %get3A_24 = arith.constant 0 : index
    %get3A_25 = arith.constant 0 : index
    %get3A_26 = vector.load %arg2[%get3A_24, %get3A_25] : memref<64x1xi32, #tpu.memory_space<vmem>>, vector<64x1xi32>
    %max3A = arith.constant 1 : i32
    %max3A_27 = vector.broadcast %max3A : i32 to vector<64x1xi32>
    %max3A_28 = arith.maxsi %get3A_26, %max3A_27 : vector<64x1xi32>
    %get3A_29 = arith.constant 0 : index
    %get3A_30 = arith.constant 0 : index
    %get3A_31 = vector.load %arg4[%get3A_29, %get3A_30] : memref<256x256xf32, #tpu.memory_space<vmem>>, vector<256x256xf32>
    %iota3A = tpu.iota {dimensions = array<i32: 1>} : vector<3x768xi32>
    %jit3A = arith.constant 256 : i32
    %div3A_32 = vector.broadcast %jit3A : i32 to vector<3x768xi32>
    %div3A_33 = arith.divsi %iota3A, %div3A_32 : vector<3x768xi32>
    %sign3A = arith.constant 0 : i32
    %sign3A_34 = vector.broadcast %sign3A : i32 to vector<3x768xi32>
    %sign3A_35 = arith.cmpi sgt, %iota3A, %sign3A_34 : vector<3x768xi32>
    %sign3A_36 = arith.extui %sign3A_35 : vector<3x768xi1> to vector<3x768xi32>
    %sign3A_37 = arith.constant 0 : i32
    %sign3A_38 = vector.broadcast %sign3A_37 : i32 to vector<3x768xi32>
    %sign3A_39 = arith.cmpi slt, %iota3A, %sign3A_38 : vector<3x768xi32>
    %sign3A_40 = arith.extui %sign3A_39 : vector<3x768xi1> to vector<3x768xi32>
    %sign3A_41 = arith.subi %sign3A_36, %sign3A_40 : vector<3x768xi32>
    %sign3A_42 = arith.constant 0 : i32
    %sign3A_43 = arith.cmpi sgt, %jit3A, %sign3A_42 : i32
    %sign3A_44 = arith.extui %sign3A_43 : i1 to i32
    %sign3A_45 = arith.constant 0 : i32
    %sign3A_46 = arith.cmpi slt, %jit3A, %sign3A_45 : i32
    %sign3A_47 = arith.extui %sign3A_46 : i1 to i32
    %sign3A_48 = arith.subi %sign3A_44, %sign3A_47 : i32
    %ne3A = vector.broadcast %sign3A_48 : i32 to vector<3x768xi32>
    %ne3A_49 = arith.cmpi ne, %sign3A_41, %ne3A : vector<3x768xi32>
    %rem3A = vector.broadcast %jit3A : i32 to vector<3x768xi32>
    %rem3A_50 = arith.remsi %iota3A, %rem3A : vector<3x768xi32>
    %ne3A_51 = arith.constant 0 : i32
    %ne3A_52 = vector.broadcast %ne3A_51 : i32 to vector<3x768xi32>
    %ne3A_53 = arith.cmpi ne, %rem3A_50, %ne3A_52 : vector<3x768xi32>
    %and3A = arith.andi %ne3A_49, %ne3A_53 : vector<3x768xi1>
    %sub3A = arith.constant 1 : i32
    %sub3A_54 = vector.broadcast %sub3A : i32 to vector<3x768xi32>
    %sub3A_55 = arith.subi %div3A_33, %sub3A_54 : vector<3x768xi32>
    %select_n3A = arith.select %and3A, %sub3A_55, %div3A_33 : vector<3x768xi1>, vector<3x768xi32>
    %iota3A_56 = tpu.iota {dimensions = array<i32: 0>} : vector<3x768xi32>
    %eq3A = arith.cmpi eq, %select_n3A, %iota3A_56 : vector<3x768xi32>
    %convert_element_type3A = arith.extui %eq3A : vector<3x768xi1> to vector<3x768xi32>
    %convert_element_type3A_57 = arith.sitofp %convert_element_type3A : vector<3x768xi32> to vector<3x768xf32>
    %broadcast_in_dim3A_58 = arith.constant 0.000000e+00 : f32
    %broadcast_in_dim3A_59 = vector.broadcast %broadcast_in_dim3A_58 : f32 to vector<64x128xf32>
    %get3A_60 = arith.constant 0 : index
    %get3A_61 = arith.constant 0 : index
    %get3A_62 = arith.constant 0 : index
    %get3A_63 = vector.load %arg9[%get3A_60, %get3A_61, %get3A_62] : memref<64x64x2xi32, #tpu.memory_space<vmem>>, vector<1x64x2xi32>
    %get3A_64 = vector.shape_cast %get3A_63 : vector<1x64x2xi32> to vector<64x2xi32>
    %convert_element_type3A_65 = arith.sitofp %get3A_64 : vector<64x2xi32> to vector<64x2xf32>
    %div3A_66 = arith.constant 1.000000e+00 : f32
    %div3A_67 = vector.broadcast %div3A_66 : f32 to vector<64x2xf32>
    %div3A_68 = arith.divf %convert_element_type3A_65, %div3A_67 : vector<64x2xf32>
    %add3A = arith.constant 1.000000e-03 : f32
    %add3A_69 = vector.broadcast %add3A : f32 to vector<64x2xf32>
    %add3A_70 = arith.addf %div3A_68, %add3A_69 : vector<64x2xf32>
    %floor3A = math.floor %add3A_70 : vector<64x2xf32>
    %mul3A = arith.constant 1.000000e+00 : f32
    %mul3A_71 = vector.broadcast %mul3A : f32 to vector<64x2xf32>
    %mul3A_72 = arith.mulf %mul3A_71, %floor3A : vector<64x2xf32>
    %sub3A_73 = arith.subf %convert_element_type3A_65, %mul3A_72 : vector<64x2xf32>
    %slice3A = vector.extract_strided_slice %sub3A_73 {offsets = [0, 0], sizes = [64, 1], strides = [1, 1]} : vector<64x2xf32> to vector<64x1xf32>
    %slice3A_74 = vector.extract_strided_slice %sub3A_73 {offsets = [0, 1], sizes = [64, 1], strides = [1, 1]} : vector<64x2xf32> to vector<64x1xf32>
    %eq3A_75 = arith.cmpf oeq, %slice3A, %slice3A_74 : vector<64x1xf32>
    %jit3A_76 = arith.constant -1.000000e+00 : f32
    %broadcast_in_dim3A_77 = vector.broadcast %jit3A_76 : f32 to vector<64x1xf32>
    %select_n3A_78 = arith.select %eq3A_75, %broadcast_in_dim3A_77, %slice3A_74 : vector<64x1xi1>, vector<64x1xf32>
    %jit3A_79 = arith.constant 2.000000e+00 : f32
    %jit3A_80 = arith.constant 1.000000e+00 : f32
    %broadcast_in_dim3A_81 = vector.broadcast %jit3A_79 : f32 to vector<64x1xf32>
    %broadcast_in_dim3A_82 = vector.broadcast %jit3A_80 : f32 to vector<64x1xf32>
    %select_n3A_83 = arith.select %eq3A_75, %broadcast_in_dim3A_81, %broadcast_in_dim3A_82 : vector<64x1xi1>, vector<64x1xf32>
    %concatenate3A = tpu.concatenate %slice3A, %select_n3A_78, %select_n3A_83 in 1 : vector<64x1xf32>, vector<64x1xf32>, vector<64x1xf32> -> vector<64x3xf32>
    %dot_general3A_84 = arith.constant dense<0.000000e+00> : vector<64x768xf32>
    %dot_general3A_85 = tpu.matmul %concatenate3A, %convert_element_type3A_57, %dot_general3A_84 {dimension_numbers = #tpu.dot_dimension_numbers<[1], [0], [0], [1], [0, 0, 1, 1], [], []>, transpose_lhs_hint = false} : vector<64x3xf32>, vector<3x768xf32>, vector<64x768xf32> -> vector<64x768xf32>
    %swap3A_86 = arith.constant 0 : index
    %swap3A_87 = arith.constant 0 : index
    %swap3A_88 = arith.constant 0 : index
    %swap3A_89 = vector.load %arg8[%swap3A_86, %swap3A_87, %swap3A_88] : memref<2x64x768xf32, #tpu.memory_space<vmem>>, vector<1x64x768xf32>
    %swap3A_90 = vector.shape_cast %swap3A_89 : vector<1x64x768xf32> to vector<64x768xf32>
    %swap3A_91 = vector.shape_cast %dot_general3A_85 : vector<64x768xf32> to vector<1x64x768xf32>
    tpu.vector_store %arg8[%swap3A_86, %swap3A_87, %swap3A_88], %swap3A_91 {strides = array<i32>} : memref<2x64x768xf32, #tpu.memory_space<vmem>>, vector<1x64x768xf32>,
    %broadcast_in_dim3A_92 = arith.constant 0.000000e+00 : f32
    %broadcast_in_dim3A_93 = vector.broadcast %broadcast_in_dim3A_92 : f32 to vector<64x256xf32>
    %scan3A = arith.constant 0 : i32
    %scan3A_94 = arith.constant 32 : i32
    %scan3A_95 = arith.addi %scan3A, %scan3A_94 : i32
    %scan3A_96 = arith.constant 1 : i32
    %scan3A_97 = scf.for %scan3A_102 = %scan3A to %scan3A_95 step %scan3A_96 iter_args(%scan3A_103 = %broadcast_in_dim3A_93) -> (vector<64x256xf32>)  : i32 {
      %mul3A_104 = arith.constant 2 : i32
      %mul3A_105 = arith.muli %mul3A_104, %scan3A_102 : i32
      %get3A_106 = arith.constant 0 : index
      %get3A_107 = arith.constant 0 : index
      %get3A_108 = arith.constant 0 : index
      %get3A_109 = vector.load %arg8[%get3A_106, %get3A_107, %get3A_108] : memref<2x64x768xf32, #tpu.memory_space<vmem>>, vector<1x64x128xf32>
      %get3A_110 = vector.shape_cast %get3A_109 : vector<1x64x128xf32> to vector<64x128xf32>
      %get3A_111 = arith.constant 0 : index
      %get3A_112 = arith.constant 0 : index
      %get3A_113 = arith.constant 128 : index
      %get3A_114 = vector.load %arg8[%get3A_111, %get3A_112, %get3A_113] : memref<2x64x768xf32, #tpu.memory_space<vmem>>, vector<1x64x128xf32>
      %get3A_115 = vector.shape_cast %get3A_114 : vector<1x64x128xf32> to vector<64x128xf32>
      %get3A_116 = arith.constant 0 : index
      %get3A_117 = arith.constant 0 : index
      %get3A_118 = arith.constant 256 : index
      %get3A_119 = vector.load %arg8[%get3A_116, %get3A_117, %get3A_118] : memref<2x64x768xf32, #tpu.memory_space<vmem>>, vector<1x64x128xf32>
      %get3A_120 = vector.shape_cast %get3A_119 : vector<1x64x128xf32> to vector<64x128xf32>
      %get3A_121 = arith.constant 0 : index
      %get3A_122 = arith.constant 0 : index
      %get3A_123 = arith.constant 384 : index
      %get3A_124 = vector.load %arg8[%get3A_121, %get3A_122, %get3A_123] : memref<2x64x768xf32, #tpu.memory_space<vmem>>, vector<1x64x128xf32>
      %get3A_125 = vector.shape_cast %get3A_124 : vector<1x64x128xf32> to vector<64x128xf32>
      %jit3A_126 = arith.constant 8 : i32
      %div3A_127 = arith.divsi %mul3A_105, %jit3A_126 : i32
      %sign3A_128 = arith.constant 0 : i32
      %sign3A_129 = arith.cmpi sgt, %mul3A_105, %sign3A_128 : i32
      %sign3A_130 = arith.extui %sign3A_129 : i1 to i32
      %sign3A_131 = arith.constant 0 : i32
      %sign3A_132 = arith.cmpi slt, %mul3A_105, %sign3A_131 : i32
      %sign3A_133 = arith.extui %sign3A_132 : i1 to i32
      %sign3A_134 = arith.subi %sign3A_130, %sign3A_133 : i32
      %sign3A_135 = arith.constant 0 : i32
      %sign3A_136 = arith.cmpi sgt, %jit3A_126, %sign3A_135 : i32
      %sign3A_137 = arith.extui %sign3A_136 : i1 to i32
      %sign3A_138 = arith.constant 0 : i32
      %sign3A_139 = arith.cmpi slt, %jit3A_126, %sign3A_138 : i32
      %sign3A_140 = arith.extui %sign3A_139 : i1 to i32
      %sign3A_141 = arith.subi %sign3A_137, %sign3A_140 : i32
      %ne3A_142 = arith.cmpi ne, %sign3A_134, %sign3A_141 : i32
      %rem3A_143 = arith.remsi %mul3A_105, %jit3A_126 : i32
      %ne3A_144 = arith.constant 0 : i32
      %ne3A_145 = arith.cmpi ne, %rem3A_143, %ne3A_144 : i32
      %and3A_146 = arith.andi %ne3A_142, %ne3A_145 : i1
      %sub3A_147 = arith.constant 1 : i32
      %sub3A_148 = arith.subi %div3A_127, %sub3A_147 : i32
      %select_n3A_149 = arith.select %and3A_146, %sub3A_148, %div3A_127 : i32
      %add3A_150 = arith.constant 1 : i32
      %add3A_151 = arith.addi %select_n3A_149, %add3A_150 : i32
      %while3A = arith.constant 0 : i32
      %while3A_152 = arith.subi %add3A_151, %while3A : i32
      %while3A_153 = arith.addi %while3A, %while3A_152 : i32
      %while3A_154 = arith.constant 1 : i32
      %while3A_155 = arith.divsi %while3A_152, %while3A_154 : i32
      %while3A_156 = arith.muli %while3A_155, %while3A_154 : i32
      %while3A_157 = arith.addi %while3A, %while3A_156 : i32
      %while3A_158 = arith.constant 1 : i32
      %while3A_159:2 = scf.for %while3A_384 = %while3A to %while3A_157 step %while3A_158 iter_args(%while3A_385 = %broadcast_in_dim3A_59, %while3A_386 = %broadcast_in_dim3A_59) -> (vector<64x128xf32>, vector<64x128xf32>)  : i32 {
        %mul3A_387 = arith.constant 8 : i32
        %mul3A_388 = arith.muli %while3A_384, %mul3A_387 : i32
        %add3A_389 = arith.constant 0 : i32
        %add3A_390 = arith.addi %mul3A_388, %add3A_389 : i32
        %convert_element_type3A_391 = arith.sitofp %add3A_390 : i32 to f32
        %get3A_392 = arith.index_cast %add3A_390 : i32 to index
        %get3A_393 = arith.constant 0 : index
        %get3A_394 = arith.constant 0 : index
        %get3A_395 = vector.load %arg7[%get3A_392, %get3A_393, %get3A_394] : memref<65x64x256xf32, #tpu.memory_space<vmem>>, vector<1x64x256xf32>
        %get3A_396 = vector.shape_cast %get3A_395 : vector<1x64x256xf32> to vector<64x256xf32>
        %eq3A_397 = vector.broadcast %convert_element_type3A_391 : f32 to vector<64x128xf32>
        %eq3A_398 = arith.cmpf oeq, %get3A_110, %eq3A_397 : vector<64x128xf32>
        %eq3A_399 = vector.broadcast %convert_element_type3A_391 : f32 to vector<64x128xf32>
        %eq3A_400 = arith.cmpf oeq, %get3A_120, %eq3A_399 : vector<64x128xf32>
        %or3A = arith.ori %eq3A_398, %eq3A_400 : vector<64x128xi1>
        %slice3A_401 = vector.extract_strided_slice %get3A_396 {offsets = [0, 0], sizes = [64, 128], strides = [1, 1]} : vector<64x256xf32> to vector<64x128xf32>
        %jit3A_402 = arith.constant 0.000000e+00 : f32
        %broadcast_in_dim3A_403 = vector.broadcast %jit3A_402 : f32 to vector<64x128xf32>
        %select_n3A_404 = arith.select %or3A, %slice3A_401, %broadcast_in_dim3A_403 : vector<64x128xi1>, vector<64x128xf32>
        %add3A_405 = arith.addf %while3A_385, %select_n3A_404 : vector<64x128xf32>
        %eq3A_406 = vector.broadcast %convert_element_type3A_391 : f32 to vector<64x128xf32>
        %eq3A_407 = arith.cmpf oeq, %get3A_115, %eq3A_406 : vector<64x128xf32>
        %eq3A_408 = vector.broadcast %convert_element_type3A_391 : f32 to vector<64x128xf32>
        %eq3A_409 = arith.cmpf oeq, %get3A_125, %eq3A_408 : vector<64x128xf32>
        %or3A_410 = arith.ori %eq3A_407, %eq3A_409 : vector<64x128xi1>
        %slice3A_411 = vector.extract_strided_slice %get3A_396 {offsets = [0, 128], sizes = [64, 128], strides = [1, 1]} : vector<64x256xf32> to vector<64x128xf32>
        %jit3A_412 = arith.constant 0.000000e+00 : f32
        %broadcast_in_dim3A_413 = vector.broadcast %jit3A_412 : f32 to vector<64x128xf32>
        %select_n3A_414 = arith.select %or3A_410, %slice3A_411, %broadcast_in_dim3A_413 : vector<64x128xi1>, vector<64x128xf32>
        %add3A_415 = arith.addf %while3A_386, %select_n3A_414 : vector<64x128xf32>
        %mul3A_416 = arith.constant 8 : i32
        %mul3A_417 = arith.muli %while3A_384, %mul3A_416 : i32
        %add3A_418 = arith.constant 1 : i32
        %add3A_419 = arith.addi %mul3A_417, %add3A_418 : i32
        %convert_element_type3A_420 = arith.sitofp %add3A_419 : i32 to f32
        %get3A_421 = arith.index_cast %add3A_419 : i32 to index
        %get3A_422 = arith.constant 0 : index
        %get3A_423 = arith.constant 0 : index
        %get3A_424 = vector.load %arg7[%get3A_421, %get3A_422, %get3A_423] : memref<65x64x256xf32, #tpu.memory_space<vmem>>, vector<1x64x256xf32>
        %get3A_425 = vector.shape_cast %get3A_424 : vector<1x64x256xf32> to vector<64x256xf32>
        %eq3A_426 = vector.broadcast %convert_element_type3A_420 : f32 to vector<64x128xf32>
        %eq3A_427 = arith.cmpf oeq, %get3A_110, %eq3A_426 : vector<64x128xf32>
        %eq3A_428 = vector.broadcast %convert_element_type3A_420 : f32 to vector<64x128xf32>
        %eq3A_429 = arith.cmpf oeq, %get3A_120, %eq3A_428 : vector<64x128xf32>
        %or3A_430 = arith.ori %eq3A_427, %eq3A_429 : vector<64x128xi1>
        %slice3A_431 = vector.extract_strided_slice %get3A_425 {offsets = [0, 0], sizes = [64, 128], strides = [1, 1]} : vector<64x256xf32> to vector<64x128xf32>
        %jit3A_432 = arith.constant 0.000000e+00 : f32
        %broadcast_in_dim3A_433 = vector.broadcast %jit3A_432 : f32 to vector<64x128xf32>
        %select_n3A_434 = arith.select %or3A_430, %slice3A_431, %broadcast_in_dim3A_433 : vector<64x128xi1>, vector<64x128xf32>
        %add3A_435 = arith.addf %add3A_405, %select_n3A_434 : vector<64x128xf32>
        %eq3A_436 = vector.broadcast %convert_element_type3A_420 : f32 to vector<64x128xf32>
        %eq3A_437 = arith.cmpf oeq, %get3A_115, %eq3A_436 : vector<64x128xf32>
        %eq3A_438 = vector.broadcast %convert_element_type3A_420 : f32 to vector<64x128xf32>
        %eq3A_439 = arith.cmpf oeq, %get3A_125, %eq3A_438 : vector<64x128xf32>
        %or3A_440 = arith.ori %eq3A_437, %eq3A_439 : vector<64x128xi1>
        %slice3A_441 = vector.extract_strided_slice %get3A_425 {offsets = [0, 128], sizes = [64, 128], strides = [1, 1]} : vector<64x256xf32> to vector<64x128xf32>
        %jit3A_442 = arith.constant 0.000000e+00 : f32
        %broadcast_in_dim3A_443 = vector.broadcast %jit3A_442 : f32 to vector<64x128xf32>
        %select_n3A_444 = arith.select %or3A_440, %slice3A_441, %broadcast_in_dim3A_443 : vector<64x128xi1>, vector<64x128xf32>
        %add3A_445 = arith.addf %add3A_415, %select_n3A_444 : vector<64x128xf32>
        %mul3A_446 = arith.constant 8 : i32
        %mul3A_447 = arith.muli %while3A_384, %mul3A_446 : i32
        %add3A_448 = arith.constant 2 : i32
        %add3A_449 = arith.addi %mul3A_447, %add3A_448 : i32
        %convert_element_type3A_450 = arith.sitofp %add3A_449 : i32 to f32
        %get3A_451 = arith.index_cast %add3A_449 : i32 to index
        %get3A_452 = arith.constant 0 : index
        %get3A_453 = arith.constant 0 : index
        %get3A_454 = vector.load %arg7[%get3A_451, %get3A_452, %get3A_453] : memref<65x64x256xf32, #tpu.memory_space<vmem>>, vector<1x64x256xf32>
        %get3A_455 = vector.shape_cast %get3A_454 : vector<1x64x256xf32> to vector<64x256xf32>
        %eq3A_456 = vector.broadcast %convert_element_type3A_450 : f32 to vector<64x128xf32>
        %eq3A_457 = arith.cmpf oeq, %get3A_110, %eq3A_456 : vector<64x128xf32>
        %eq3A_458 = vector.broadcast %convert_element_type3A_450 : f32 to vector<64x128xf32>
        %eq3A_459 = arith.cmpf oeq, %get3A_120, %eq3A_458 : vector<64x128xf32>
        %or3A_460 = arith.ori %eq3A_457, %eq3A_459 : vector<64x128xi1>
        %slice3A_461 = vector.extract_strided_slice %get3A_455 {offsets = [0, 0], sizes = [64, 128], strides = [1, 1]} : vector<64x256xf32> to vector<64x128xf32>
        %jit3A_462 = arith.constant 0.000000e+00 : f32
        %broadcast_in_dim3A_463 = vector.broadcast %jit3A_462 : f32 to vector<64x128xf32>
        %select_n3A_464 = arith.select %or3A_460, %slice3A_461, %broadcast_in_dim3A_463 : vector<64x128xi1>, vector<64x128xf32>
        %add3A_465 = arith.addf %add3A_435, %select_n3A_464 : vector<64x128xf32>
        %eq3A_466 = vector.broadcast %convert_element_type3A_450 : f32 to vector<64x128xf32>
        %eq3A_467 = arith.cmpf oeq, %get3A_115, %eq3A_466 : vector<64x128xf32>
        %eq3A_468 = vector.broadcast %convert_element_type3A_450 : f32 to vector<64x128xf32>
        %eq3A_469 = arith.cmpf oeq, %get3A_125, %eq3A_468 : vector<64x128xf32>
        %or3A_470 = arith.ori %eq3A_467, %eq3A_469 : vector<64x128xi1>
        %slice3A_471 = vector.extract_strided_slice %get3A_455 {offsets = [0, 128], sizes = [64, 128], strides = [1, 1]} : vector<64x256xf32> to vector<64x128xf32>
        %jit3A_472 = arith.constant 0.000000e+00 : f32
        %broadcast_in_dim3A_473 = vector.broadcast %jit3A_472 : f32 to vector<64x128xf32>
        %select_n3A_474 = arith.select %or3A_470, %slice3A_471, %broadcast_in_dim3A_473 : vector<64x128xi1>, vector<64x128xf32>
        %add3A_475 = arith.addf %add3A_445, %select_n3A_474 : vector<64x128xf32>
        %mul3A_476 = arith.constant 8 : i32
        %mul3A_477 = arith.muli %while3A_384, %mul3A_476 : i32
        %add3A_478 = arith.constant 3 : i32
        %add3A_479 = arith.addi %mul3A_477, %add3A_478 : i32
        %convert_element_type3A_480 = arith.sitofp %add3A_479 : i32 to f32
        %get3A_481 = arith.index_cast %add3A_479 : i32 to index
        %get3A_482 = arith.constant 0 : index
        %get3A_483 = arith.constant 0 : index
        %get3A_484 = vector.load %arg7[%get3A_481, %get3A_482, %get3A_483] : memref<65x64x256xf32, #tpu.memory_space<vmem>>, vector<1x64x256xf32>
        %get3A_485 = vector.shape_cast %get3A_484 : vector<1x64x256xf32> to vector<64x256xf32>
        %eq3A_486 = vector.broadcast %convert_element_type3A_480 : f32 to vector<64x128xf32>
        %eq3A_487 = arith.cmpf oeq, %get3A_110, %eq3A_486 : vector<64x128xf32>
        %eq3A_488 = vector.broadcast %convert_element_type3A_480 : f32 to vector<64x128xf32>
        %eq3A_489 = arith.cmpf oeq, %get3A_120, %eq3A_488 : vector<64x128xf32>
        %or3A_490 = arith.ori %eq3A_487, %eq3A_489 : vector<64x128xi1>
        %slice3A_491 = vector.extract_strided_slice %get3A_485 {offsets = [0, 0], sizes = [64, 128], strides = [1, 1]} : vector<64x256xf32> to vector<64x128xf32>
        %jit3A_492 = arith.constant 0.000000e+00 : f32
        %broadcast_in_dim3A_493 = vector.broadcast %jit3A_492 : f32 to vector<64x128xf32>
        %select_n3A_494 = arith.select %or3A_490, %slice3A_491, %broadcast_in_dim3A_493 : vector<64x128xi1>, vector<64x128xf32>
        %add3A_495 = arith.addf %add3A_465, %select_n3A_494 : vector<64x128xf32>
        %eq3A_496 = vector.broadcast %convert_element_type3A_480 : f32 to vector<64x128xf32>
        %eq3A_497 = arith.cmpf oeq, %get3A_115, %eq3A_496 : vector<64x128xf32>
        %eq3A_498 = vector.broadcast %convert_element_type3A_480 : f32 to vector<64x128xf32>
        %eq3A_499 = arith.cmpf oeq, %get3A_125, %eq3A_498 : vector<64x128xf32>
        %or3A_500 = arith.ori %eq3A_497, %eq3A_499 : vector<64x128xi1>
        %slice3A_501 = vector.extract_strided_slice %get3A_485 {offsets = [0, 128], sizes = [64, 128], strides = [1, 1]} : vector<64x256xf32> to vector<64x128xf32>
        %jit3A_502 = arith.constant 0.000000e+00 : f32
        %broadcast_in_dim3A_503 = vector.broadcast %jit3A_502 : f32 to vector<64x128xf32>
        %select_n3A_504 = arith.select %or3A_500, %slice3A_501, %broadcast_in_dim3A_503 : vector<64x128xi1>, vector<64x128xf32>
        %add3A_505 = arith.addf %add3A_475, %select_n3A_504 : vector<64x128xf32>
        %mul3A_506 = arith.constant 8 : i32
        %mul3A_507 = arith.muli %while3A_384, %mul3A_506 : i32
        %add3A_508 = arith.constant 4 : i32
        %add3A_509 = arith.addi %mul3A_507, %add3A_508 : i32
        %convert_element_type3A_510 = arith.sitofp %add3A_509 : i32 to f32
        %get3A_511 = arith.index_cast %add3A_509 : i32 to index
        %get3A_512 = arith.constant 0 : index
        %get3A_513 = arith.constant 0 : index
        %get3A_514 = vector.load %arg7[%get3A_511, %get3A_512, %get3A_513] : memref<65x64x256xf32, #tpu.memory_space<vmem>>, vector<1x64x256xf32>
        %get3A_515 = vector.shape_cast %get3A_514 : vector<1x64x256xf32> to vector<64x256xf32>
        %eq3A_516 = vector.broadcast %convert_element_type3A_510 : f32 to vector<64x128xf32>
        %eq3A_517 = arith.cmpf oeq, %get3A_110, %eq3A_516 : vector<64x128xf32>
        %eq3A_518 = vector.broadcast %convert_element_type3A_510 : f32 to vector<64x128xf32>
        %eq3A_519 = arith.cmpf oeq, %get3A_120, %eq3A_518 : vector<64x128xf32>
        %or3A_520 = arith.ori %eq3A_517, %eq3A_519 : vector<64x128xi1>
        %slice3A_521 = vector.extract_strided_slice %get3A_515 {offsets = [0, 0], sizes = [64, 128], strides = [1, 1]} : vector<64x256xf32> to vector<64x128xf32>
        %jit3A_522 = arith.constant 0.000000e+00 : f32
        %broadcast_in_dim3A_523 = vector.broadcast %jit3A_522 : f32 to vector<64x128xf32>
        %select_n3A_524 = arith.select %or3A_520, %slice3A_521, %broadcast_in_dim3A_523 : vector<64x128xi1>, vector<64x128xf32>
        %add3A_525 = arith.addf %add3A_495, %select_n3A_524 : vector<64x128xf32>
        %eq3A_526 = vector.broadcast %convert_element_type3A_510 : f32 to vector<64x128xf32>
        %eq3A_527 = arith.cmpf oeq, %get3A_115, %eq3A_526 : vector<64x128xf32>
        %eq3A_528 = vector.broadcast %convert_element_type3A_510 : f32 to vector<64x128xf32>
        %eq3A_529 = arith.cmpf oeq, %get3A_125, %eq3A_528 : vector<64x128xf32>
        %or3A_530 = arith.ori %eq3A_527, %eq3A_529 : vector<64x128xi1>
        %slice3A_531 = vector.extract_strided_slice %get3A_515 {offsets = [0, 128], sizes = [64, 128], strides = [1, 1]} : vector<64x256xf32> to vector<64x128xf32>
        %jit3A_532 = arith.constant 0.000000e+00 : f32
        %broadcast_in_dim3A_533 = vector.broadcast %jit3A_532 : f32 to vector<64x128xf32>
        %select_n3A_534 = arith.select %or3A_530, %slice3A_531, %broadcast_in_dim3A_533 : vector<64x128xi1>, vector<64x128xf32>
        %add3A_535 = arith.addf %add3A_505, %select_n3A_534 : vector<64x128xf32>
        %mul3A_536 = arith.constant 8 : i32
        %mul3A_537 = arith.muli %while3A_384, %mul3A_536 : i32
        %add3A_538 = arith.constant 5 : i32
        %add3A_539 = arith.addi %mul3A_537, %add3A_538 : i32
        %convert_element_type3A_540 = arith.sitofp %add3A_539 : i32 to f32
        %get3A_541 = arith.index_cast %add3A_539 : i32 to index
        %get3A_542 = arith.constant 0 : index
        %get3A_543 = arith.constant 0 : index
        %get3A_544 = vector.load %arg7[%get3A_541, %get3A_542, %get3A_543] : memref<65x64x256xf32, #tpu.memory_space<vmem>>, vector<1x64x256xf32>
        %get3A_545 = vector.shape_cast %get3A_544 : vector<1x64x256xf32> to vector<64x256xf32>
        %eq3A_546 = vector.broadcast %convert_element_type3A_540 : f32 to vector<64x128xf32>
        %eq3A_547 = arith.cmpf oeq, %get3A_110, %eq3A_546 : vector<64x128xf32>
        %eq3A_548 = vector.broadcast %convert_element_type3A_540 : f32 to vector<64x128xf32>
        %eq3A_549 = arith.cmpf oeq, %get3A_120, %eq3A_548 : vector<64x128xf32>
        %or3A_550 = arith.ori %eq3A_547, %eq3A_549 : vector<64x128xi1>
        %slice3A_551 = vector.extract_strided_slice %get3A_545 {offsets = [0, 0], sizes = [64, 128], strides = [1, 1]} : vector<64x256xf32> to vector<64x128xf32>
        %jit3A_552 = arith.constant 0.000000e+00 : f32
        %broadcast_in_dim3A_553 = vector.broadcast %jit3A_552 : f32 to vector<64x128xf32>
        %select_n3A_554 = arith.select %or3A_550, %slice3A_551, %broadcast_in_dim3A_553 : vector<64x128xi1>, vector<64x128xf32>
        %add3A_555 = arith.addf %add3A_525, %select_n3A_554 : vector<64x128xf32>
        %eq3A_556 = vector.broadcast %convert_element_type3A_540 : f32 to vector<64x128xf32>
        %eq3A_557 = arith.cmpf oeq, %get3A_115, %eq3A_556 : vector<64x128xf32>
        %eq3A_558 = vector.broadcast %convert_element_type3A_540 : f32 to vector<64x128xf32>
        %eq3A_559 = arith.cmpf oeq, %get3A_125, %eq3A_558 : vector<64x128xf32>
        %or3A_560 = arith.ori %eq3A_557, %eq3A_559 : vector<64x128xi1>
        %slice3A_561 = vector.extract_strided_slice %get3A_545 {offsets = [0, 128], sizes = [64, 128], strides = [1, 1]} : vector<64x256xf32> to vector<64x128xf32>
        %jit3A_562 = arith.constant 0.000000e+00 : f32
        %broadcast_in_dim3A_563 = vector.broadcast %jit3A_562 : f32 to vector<64x128xf32>
        %select_n3A_564 = arith.select %or3A_560, %slice3A_561, %broadcast_in_dim3A_563 : vector<64x128xi1>, vector<64x128xf32>
        %add3A_565 = arith.addf %add3A_535, %select_n3A_564 : vector<64x128xf32>
        %mul3A_566 = arith.constant 8 : i32
        %mul3A_567 = arith.muli %while3A_384, %mul3A_566 : i32
        %add3A_568 = arith.constant 6 : i32
        %add3A_569 = arith.addi %mul3A_567, %add3A_568 : i32
        %convert_element_type3A_570 = arith.sitofp %add3A_569 : i32 to f32
        %get3A_571 = arith.index_cast %add3A_569 : i32 to index
        %get3A_572 = arith.constant 0 : index
        %get3A_573 = arith.constant 0 : index
        %get3A_574 = vector.load %arg7[%get3A_571, %get3A_572, %get3A_573] : memref<65x64x256xf32, #tpu.memory_space<vmem>>, vector<1x64x256xf32>
        %get3A_575 = vector.shape_cast %get3A_574 : vector<1x64x256xf32> to vector<64x256xf32>
        %eq3A_576 = vector.broadcast %convert_element_type3A_570 : f32 to vector<64x128xf32>
        %eq3A_577 = arith.cmpf oeq, %get3A_110, %eq3A_576 : vector<64x128xf32>
        %eq3A_578 = vector.broadcast %convert_element_type3A_570 : f32 to vector<64x128xf32>
        %eq3A_579 = arith.cmpf oeq, %get3A_120, %eq3A_578 : vector<64x128xf32>
        %or3A_580 = arith.ori %eq3A_577, %eq3A_579 : vector<64x128xi1>
        %slice3A_581 = vector.extract_strided_slice %get3A_575 {offsets = [0, 0], sizes = [64, 128], strides = [1, 1]} : vector<64x256xf32> to vector<64x128xf32>
        %jit3A_582 = arith.constant 0.000000e+00 : f32
        %broadcast_in_dim3A_583 = vector.broadcast %jit3A_582 : f32 to vector<64x128xf32>
        %select_n3A_584 = arith.select %or3A_580, %slice3A_581, %broadcast_in_dim3A_583 : vector<64x128xi1>, vector<64x128xf32>
        %add3A_585 = arith.addf %add3A_555, %select_n3A_584 : vector<64x128xf32>
        %eq3A_586 = vector.broadcast %convert_element_type3A_570 : f32 to vector<64x128xf32>
        %eq3A_587 = arith.cmpf oeq, %get3A_115, %eq3A_586 : vector<64x128xf32>
        %eq3A_588 = vector.broadcast %convert_element_type3A_570 : f32 to vector<64x128xf32>
        %eq3A_589 = arith.cmpf oeq, %get3A_125, %eq3A_588 : vector<64x128xf32>
        %or3A_590 = arith.ori %eq3A_587, %eq3A_589 : vector<64x128xi1>
        %slice3A_591 = vector.extract_strided_slice %get3A_575 {offsets = [0, 128], sizes = [64, 128], strides = [1, 1]} : vector<64x256xf32> to vector<64x128xf32>
        %jit3A_592 = arith.constant 0.000000e+00 : f32
        %broadcast_in_dim3A_593 = vector.broadcast %jit3A_592 : f32 to vector<64x128xf32>
        %select_n3A_594 = arith.select %or3A_590, %slice3A_591, %broadcast_in_dim3A_593 : vector<64x128xi1>, vector<64x128xf32>
        %add3A_595 = arith.addf %add3A_565, %select_n3A_594 : vector<64x128xf32>
        %mul3A_596 = arith.constant 8 : i32
        %mul3A_597 = arith.muli %while3A_384, %mul3A_596 : i32
        %add3A_598 = arith.constant 7 : i32
        %add3A_599 = arith.addi %mul3A_597, %add3A_598 : i32
        %convert_element_type3A_600 = arith.sitofp %add3A_599 : i32 to f32
        %get3A_601 = arith.index_cast %add3A_599 : i32 to index
        %get3A_602 = arith.constant 0 : index
        %get3A_603 = arith.constant 0 : index
        %get3A_604 = vector.load %arg7[%get3A_601, %get3A_602, %get3A_603] : memref<65x64x256xf32, #tpu.memory_space<vmem>>, vector<1x64x256xf32>
        %get3A_605 = vector.shape_cast %get3A_604 : vector<1x64x256xf32> to vector<64x256xf32>
        %eq3A_606 = vector.broadcast %convert_element_type3A_600 : f32 to vector<64x128xf32>
        %eq3A_607 = arith.cmpf oeq, %get3A_110, %eq3A_606 : vector<64x128xf32>
        %eq3A_608 = vector.broadcast %convert_element_type3A_600 : f32 to vector<64x128xf32>
        %eq3A_609 = arith.cmpf oeq, %get3A_120, %eq3A_608 : vector<64x128xf32>
        %or3A_610 = arith.ori %eq3A_607, %eq3A_609 : vector<64x128xi1>
        %slice3A_611 = vector.extract_strided_slice %get3A_605 {offsets = [0, 0], sizes = [64, 128], strides = [1, 1]} : vector<64x256xf32> to vector<64x128xf32>
        %jit3A_612 = arith.constant 0.000000e+00 : f32
        %broadcast_in_dim3A_613 = vector.broadcast %jit3A_612 : f32 to vector<64x128xf32>
        %select_n3A_614 = arith.select %or3A_610, %slice3A_611, %broadcast_in_dim3A_613 : vector<64x128xi1>, vector<64x128xf32>
        %add3A_615 = arith.addf %add3A_585, %select_n3A_614 : vector<64x128xf32>
        %eq3A_616 = vector.broadcast %convert_element_type3A_600 : f32 to vector<64x128xf32>
        %eq3A_617 = arith.cmpf oeq, %get3A_115, %eq3A_616 : vector<64x128xf32>
        %eq3A_618 = vector.broadcast %convert_element_type3A_600 : f32 to vector<64x128xf32>
        %eq3A_619 = arith.cmpf oeq, %get3A_125, %eq3A_618 : vector<64x128xf32>
        %or3A_620 = arith.ori %eq3A_617, %eq3A_619 : vector<64x128xi1>
        %slice3A_621 = vector.extract_strided_slice %get3A_605 {offsets = [0, 128], sizes = [64, 128], strides = [1, 1]} : vector<64x256xf32> to vector<64x128xf32>
        %jit3A_622 = arith.constant 0.000000e+00 : f32
        %broadcast_in_dim3A_623 = vector.broadcast %jit3A_622 : f32 to vector<64x128xf32>
        %select_n3A_624 = arith.select %or3A_620, %slice3A_621, %broadcast_in_dim3A_623 : vector<64x128xi1>, vector<64x128xf32>
        %add3A_625 = arith.addf %add3A_595, %select_n3A_624 : vector<64x128xf32>
        scf.yield %add3A_615, %add3A_625 : vector<64x128xf32>, vector<64x128xf32>
      }
      %while3A_160 = arith.constant 1 : i32
      %while3A_161:2 = scf.for %while3A_384 = %while3A_157 to %while3A_153 step %while3A_160 iter_args(%while3A_385 = %while3A_159#0, %while3A_386 = %while3A_159#1) -> (vector<64x128xf32>, vector<64x128xf32>)  : i32 {
        %mul3A_387 = arith.constant 8 : i32
        %mul3A_388 = arith.muli %while3A_384, %mul3A_387 : i32
        %add3A_389 = arith.constant 0 : i32
        %add3A_390 = arith.addi %mul3A_388, %add3A_389 : i32
        %convert_element_type3A_391 = arith.sitofp %add3A_390 : i32 to f32
        %get3A_392 = arith.index_cast %add3A_390 : i32 to index
        %get3A_393 = arith.constant 0 : index
        %get3A_394 = arith.constant 0 : index
        %get3A_395 = vector.load %arg7[%get3A_392, %get3A_393, %get3A_394] : memref<65x64x256xf32, #tpu.memory_space<vmem>>, vector<1x64x256xf32>
        %get3A_396 = vector.shape_cast %get3A_395 : vector<1x64x256xf32> to vector<64x256xf32>
        %eq3A_397 = vector.broadcast %convert_element_type3A_391 : f32 to vector<64x128xf32>
        %eq3A_398 = arith.cmpf oeq, %get3A_110, %eq3A_397 : vector<64x128xf32>
        %eq3A_399 = vector.broadcast %convert_element_type3A_391 : f32 to vector<64x128xf32>
        %eq3A_400 = arith.cmpf oeq, %get3A_120, %eq3A_399 : vector<64x128xf32>
        %or3A = arith.ori %eq3A_398, %eq3A_400 : vector<64x128xi1>
        %slice3A_401 = vector.extract_strided_slice %get3A_396 {offsets = [0, 0], sizes = [64, 128], strides = [1, 1]} : vector<64x256xf32> to vector<64x128xf32>
        %jit3A_402 = arith.constant 0.000000e+00 : f32
        %broadcast_in_dim3A_403 = vector.broadcast %jit3A_402 : f32 to vector<64x128xf32>
        %select_n3A_404 = arith.select %or3A, %slice3A_401, %broadcast_in_dim3A_403 : vector<64x128xi1>, vector<64x128xf32>
        %add3A_405 = arith.addf %while3A_385, %select_n3A_404 : vector<64x128xf32>
        %eq3A_406 = vector.broadcast %convert_element_type3A_391 : f32 to vector<64x128xf32>
        %eq3A_407 = arith.cmpf oeq, %get3A_115, %eq3A_406 : vector<64x128xf32>
        %eq3A_408 = vector.broadcast %convert_element_type3A_391 : f32 to vector<64x128xf32>
        %eq3A_409 = arith.cmpf oeq, %get3A_125, %eq3A_408 : vector<64x128xf32>
        %or3A_410 = arith.ori %eq3A_407, %eq3A_409 : vector<64x128xi1>
        %slice3A_411 = vector.extract_strided_slice %get3A_396 {offsets = [0, 128], sizes = [64, 128], strides = [1, 1]} : vector<64x256xf32> to vector<64x128xf32>
        %jit3A_412 = arith.constant 0.000000e+00 : f32
        %broadcast_in_dim3A_413 = vector.broadcast %jit3A_412 : f32 to vector<64x128xf32>
        %select_n3A_414 = arith.select %or3A_410, %slice3A_411, %broadcast_in_dim3A_413 : vector<64x128xi1>, vector<64x128xf32>
        %add3A_415 = arith.addf %while3A_386, %select_n3A_414 : vector<64x128xf32>
        %mul3A_416 = arith.constant 8 : i32
        %mul3A_417 = arith.muli %while3A_384, %mul3A_416 : i32
        %add3A_418 = arith.constant 1 : i32
        %add3A_419 = arith.addi %mul3A_417, %add3A_418 : i32
        %convert_element_type3A_420 = arith.sitofp %add3A_419 : i32 to f32
        %get3A_421 = arith.index_cast %add3A_419 : i32 to index
        %get3A_422 = arith.constant 0 : index
        %get3A_423 = arith.constant 0 : index
        %get3A_424 = vector.load %arg7[%get3A_421, %get3A_422, %get3A_423] : memref<65x64x256xf32, #tpu.memory_space<vmem>>, vector<1x64x256xf32>
        %get3A_425 = vector.shape_cast %get3A_424 : vector<1x64x256xf32> to vector<64x256xf32>
        %eq3A_426 = vector.broadcast %convert_element_type3A_420 : f32 to vector<64x128xf32>
        %eq3A_427 = arith.cmpf oeq, %get3A_110, %eq3A_426 : vector<64x128xf32>
        %eq3A_428 = vector.broadcast %convert_element_type3A_420 : f32 to vector<64x128xf32>
        %eq3A_429 = arith.cmpf oeq, %get3A_120, %eq3A_428 : vector<64x128xf32>
        %or3A_430 = arith.ori %eq3A_427, %eq3A_429 : vector<64x128xi1>
        %slice3A_431 = vector.extract_strided_slice %get3A_425 {offsets = [0, 0], sizes = [64, 128], strides = [1, 1]} : vector<64x256xf32> to vector<64x128xf32>
        %jit3A_432 = arith.constant 0.000000e+00 : f32
        %broadcast_in_dim3A_433 = vector.broadcast %jit3A_432 : f32 to vector<64x128xf32>
        %select_n3A_434 = arith.select %or3A_430, %slice3A_431, %broadcast_in_dim3A_433 : vector<64x128xi1>, vector<64x128xf32>
        %add3A_435 = arith.addf %add3A_405, %select_n3A_434 : vector<64x128xf32>
        %eq3A_436 = vector.broadcast %convert_element_type3A_420 : f32 to vector<64x128xf32>
        %eq3A_437 = arith.cmpf oeq, %get3A_115, %eq3A_436 : vector<64x128xf32>
        %eq3A_438 = vector.broadcast %convert_element_type3A_420 : f32 to vector<64x128xf32>
        %eq3A_439 = arith.cmpf oeq, %get3A_125, %eq3A_438 : vector<64x128xf32>
        %or3A_440 = arith.ori %eq3A_437, %eq3A_439 : vector<64x128xi1>
        %slice3A_441 = vector.extract_strided_slice %get3A_425 {offsets = [0, 128], sizes = [64, 128], strides = [1, 1]} : vector<64x256xf32> to vector<64x128xf32>
        %jit3A_442 = arith.constant 0.000000e+00 : f32
        %broadcast_in_dim3A_443 = vector.broadcast %jit3A_442 : f32 to vector<64x128xf32>
        %select_n3A_444 = arith.select %or3A_440, %slice3A_441, %broadcast_in_dim3A_443 : vector<64x128xi1>, vector<64x128xf32>
        %add3A_445 = arith.addf %add3A_415, %select_n3A_444 : vector<64x128xf32>
        %mul3A_446 = arith.constant 8 : i32
        %mul3A_447 = arith.muli %while3A_384, %mul3A_446 : i32
        %add3A_448 = arith.constant 2 : i32
        %add3A_449 = arith.addi %mul3A_447, %add3A_448 : i32
        %convert_element_type3A_450 = arith.sitofp %add3A_449 : i32 to f32
        %get3A_451 = arith.index_cast %add3A_449 : i32 to index
        %get3A_452 = arith.constant 0 : index
        %get3A_453 = arith.constant 0 : index
        %get3A_454 = vector.load %arg7[%get3A_451, %get3A_452, %get3A_453] : memref<65x64x256xf32, #tpu.memory_space<vmem>>, vector<1x64x256xf32>
        %get3A_455 = vector.shape_cast %get3A_454 : vector<1x64x256xf32> to vector<64x256xf32>
        %eq3A_456 = vector.broadcast %convert_element_type3A_450 : f32 to vector<64x128xf32>
        %eq3A_457 = arith.cmpf oeq, %get3A_110, %eq3A_456 : vector<64x128xf32>
        %eq3A_458 = vector.broadcast %convert_element_type3A_450 : f32 to vector<64x128xf32>
        %eq3A_459 = arith.cmpf oeq, %get3A_120, %eq3A_458 : vector<64x128xf32>
        %or3A_460 = arith.ori %eq3A_457, %eq3A_459 : vector<64x128xi1>
        %slice3A_461 = vector.extract_strided_slice %get3A_455 {offsets = [0, 0], sizes = [64, 128], strides = [1, 1]} : vector<64x256xf32> to vector<64x128xf32>
        %jit3A_462 = arith.constant 0.000000e+00 : f32
        %broadcast_in_dim3A_463 = vector.broadcast %jit3A_462 : f32 to vector<64x128xf32>
        %select_n3A_464 = arith.select %or3A_460, %slice3A_461, %broadcast_in_dim3A_463 : vector<64x128xi1>, vector<64x128xf32>
        %add3A_465 = arith.addf %add3A_435, %select_n3A_464 : vector<64x128xf32>
        %eq3A_466 = vector.broadcast %convert_element_type3A_450 : f32 to vector<64x128xf32>
        %eq3A_467 = arith.cmpf oeq, %get3A_115, %eq3A_466 : vector<64x128xf32>
        %eq3A_468 = vector.broadcast %convert_element_type3A_450 : f32 to vector<64x128xf32>
        %eq3A_469 = arith.cmpf oeq, %get3A_125, %eq3A_468 : vector<64x128xf32>
        %or3A_470 = arith.ori %eq3A_467, %eq3A_469 : vector<64x128xi1>
        %slice3A_471 = vector.extract_strided_slice %get3A_455 {offsets = [0, 128], sizes = [64, 128], strides = [1, 1]} : vector<64x256xf32> to vector<64x128xf32>
        %jit3A_472 = arith.constant 0.000000e+00 : f32
        %broadcast_in_dim3A_473 = vector.broadcast %jit3A_472 : f32 to vector<64x128xf32>
        %select_n3A_474 = arith.select %or3A_470, %slice3A_471, %broadcast_in_dim3A_473 : vector<64x128xi1>, vector<64x128xf32>
        %add3A_475 = arith.addf %add3A_445, %select_n3A_474 : vector<64x128xf32>
        %mul3A_476 = arith.constant 8 : i32
        %mul3A_477 = arith.muli %while3A_384, %mul3A_476 : i32
        %add3A_478 = arith.constant 3 : i32
        %add3A_479 = arith.addi %mul3A_477, %add3A_478 : i32
        %convert_element_type3A_480 = arith.sitofp %add3A_479 : i32 to f32
        %get3A_481 = arith.index_cast %add3A_479 : i32 to index
        %get3A_482 = arith.constant 0 : index
        %get3A_483 = arith.constant 0 : index
        %get3A_484 = vector.load %arg7[%get3A_481, %get3A_482, %get3A_483] : memref<65x64x256xf32, #tpu.memory_space<vmem>>, vector<1x64x256xf32>
        %get3A_485 = vector.shape_cast %get3A_484 : vector<1x64x256xf32> to vector<64x256xf32>
        %eq3A_486 = vector.broadcast %convert_element_type3A_480 : f32 to vector<64x128xf32>
        %eq3A_487 = arith.cmpf oeq, %get3A_110, %eq3A_486 : vector<64x128xf32>
        %eq3A_488 = vector.broadcast %convert_element_type3A_480 : f32 to vector<64x128xf32>
        %eq3A_489 = arith.cmpf oeq, %get3A_120, %eq3A_488 : vector<64x128xf32>
        %or3A_490 = arith.ori %eq3A_487, %eq3A_489 : vector<64x128xi1>
        %slice3A_491 = vector.extract_strided_slice %get3A_485 {offsets = [0, 0], sizes = [64, 128], strides = [1, 1]} : vector<64x256xf32> to vector<64x128xf32>
        %jit3A_492 = arith.constant 0.000000e+00 : f32
        %broadcast_in_dim3A_493 = vector.broadcast %jit3A_492 : f32 to vector<64x128xf32>
        %select_n3A_494 = arith.select %or3A_490, %slice3A_491, %broadcast_in_dim3A_493 : vector<64x128xi1>, vector<64x128xf32>
        %add3A_495 = arith.addf %add3A_465, %select_n3A_494 : vector<64x128xf32>
        %eq3A_496 = vector.broadcast %convert_element_type3A_480 : f32 to vector<64x128xf32>
        %eq3A_497 = arith.cmpf oeq, %get3A_115, %eq3A_496 : vector<64x128xf32>
        %eq3A_498 = vector.broadcast %convert_element_type3A_480 : f32 to vector<64x128xf32>
        %eq3A_499 = arith.cmpf oeq, %get3A_125, %eq3A_498 : vector<64x128xf32>
        %or3A_500 = arith.ori %eq3A_497, %eq3A_499 : vector<64x128xi1>
        %slice3A_501 = vector.extract_strided_slice %get3A_485 {offsets = [0, 128], sizes = [64, 128], strides = [1, 1]} : vector<64x256xf32> to vector<64x128xf32>
        %jit3A_502 = arith.constant 0.000000e+00 : f32
        %broadcast_in_dim3A_503 = vector.broadcast %jit3A_502 : f32 to vector<64x128xf32>
        %select_n3A_504 = arith.select %or3A_500, %slice3A_501, %broadcast_in_dim3A_503 : vector<64x128xi1>, vector<64x128xf32>
        %add3A_505 = arith.addf %add3A_475, %select_n3A_504 : vector<64x128xf32>
        %mul3A_506 = arith.constant 8 : i32
        %mul3A_507 = arith.muli %while3A_384, %mul3A_506 : i32
        %add3A_508 = arith.constant 4 : i32
        %add3A_509 = arith.addi %mul3A_507, %add3A_508 : i32
        %convert_element_type3A_510 = arith.sitofp %add3A_509 : i32 to f32
        %get3A_511 = arith.index_cast %add3A_509 : i32 to index
        %get3A_512 = arith.constant 0 : index
        %get3A_513 = arith.constant 0 : index
        %get3A_514 = vector.load %arg7[%get3A_511, %get3A_512, %get3A_513] : memref<65x64x256xf32, #tpu.memory_space<vmem>>, vector<1x64x256xf32>
        %get3A_515 = vector.shape_cast %get3A_514 : vector<1x64x256xf32> to vector<64x256xf32>
        %eq3A_516 = vector.broadcast %convert_element_type3A_510 : f32 to vector<64x128xf32>
        %eq3A_517 = arith.cmpf oeq, %get3A_110, %eq3A_516 : vector<64x128xf32>
        %eq3A_518 = vector.broadcast %convert_element_type3A_510 : f32 to vector<64x128xf32>
        %eq3A_519 = arith.cmpf oeq, %get3A_120, %eq3A_518 : vector<64x128xf32>
        %or3A_520 = arith.ori %eq3A_517, %eq3A_519 : vector<64x128xi1>
        %slice3A_521 = vector.extract_strided_slice %get3A_515 {offsets = [0, 0], sizes = [64, 128], strides = [1, 1]} : vector<64x256xf32> to vector<64x128xf32>
        %jit3A_522 = arith.constant 0.000000e+00 : f32
        %broadcast_in_dim3A_523 = vector.broadcast %jit3A_522 : f32 to vector<64x128xf32>
        %select_n3A_524 = arith.select %or3A_520, %slice3A_521, %broadcast_in_dim3A_523 : vector<64x128xi1>, vector<64x128xf32>
        %add3A_525 = arith.addf %add3A_495, %select_n3A_524 : vector<64x128xf32>
        %eq3A_526 = vector.broadcast %convert_element_type3A_510 : f32 to vector<64x128xf32>
        %eq3A_527 = arith.cmpf oeq, %get3A_115, %eq3A_526 : vector<64x128xf32>
        %eq3A_528 = vector.broadcast %convert_element_type3A_510 : f32 to vector<64x128xf32>
        %eq3A_529 = arith.cmpf oeq, %get3A_125, %eq3A_528 : vector<64x128xf32>
        %or3A_530 = arith.ori %eq3A_527, %eq3A_529 : vector<64x128xi1>
        %slice3A_531 = vector.extract_strided_slice %get3A_515 {offsets = [0, 128], sizes = [64, 128], strides = [1, 1]} : vector<64x256xf32> to vector<64x128xf32>
        %jit3A_532 = arith.constant 0.000000e+00 : f32
        %broadcast_in_dim3A_533 = vector.broadcast %jit3A_532 : f32 to vector<64x128xf32>
        %select_n3A_534 = arith.select %or3A_530, %slice3A_531, %broadcast_in_dim3A_533 : vector<64x128xi1>, vector<64x128xf32>
        %add3A_535 = arith.addf %add3A_505, %select_n3A_534 : vector<64x128xf32>
        %mul3A_536 = arith.constant 8 : i32
        %mul3A_537 = arith.muli %while3A_384, %mul3A_536 : i32
        %add3A_538 = arith.constant 5 : i32
        %add3A_539 = arith.addi %mul3A_537, %add3A_538 : i32
        %convert_element_type3A_540 = arith.sitofp %add3A_539 : i32 to f32
        %get3A_541 = arith.index_cast %add3A_539 : i32 to index
        %get3A_542 = arith.constant 0 : index
        %get3A_543 = arith.constant 0 : index
        %get3A_544 = vector.load %arg7[%get3A_541, %get3A_542, %get3A_543] : memref<65x64x256xf32, #tpu.memory_space<vmem>>, vector<1x64x256xf32>
        %get3A_545 = vector.shape_cast %get3A_544 : vector<1x64x256xf32> to vector<64x256xf32>
        %eq3A_546 = vector.broadcast %convert_element_type3A_540 : f32 to vector<64x128xf32>
        %eq3A_547 = arith.cmpf oeq, %get3A_110, %eq3A_546 : vector<64x128xf32>
        %eq3A_548 = vector.broadcast %convert_element_type3A_540 : f32 to vector<64x128xf32>
        %eq3A_549 = arith.cmpf oeq, %get3A_120, %eq3A_548 : vector<64x128xf32>
        %or3A_550 = arith.ori %eq3A_547, %eq3A_549 : vector<64x128xi1>
        %slice3A_551 = vector.extract_strided_slice %get3A_545 {offsets = [0, 0], sizes = [64, 128], strides = [1, 1]} : vector<64x256xf32> to vector<64x128xf32>
        %jit3A_552 = arith.constant 0.000000e+00 : f32
        %broadcast_in_dim3A_553 = vector.broadcast %jit3A_552 : f32 to vector<64x128xf32>
        %select_n3A_554 = arith.select %or3A_550, %slice3A_551, %broadcast_in_dim3A_553 : vector<64x128xi1>, vector<64x128xf32>
        %add3A_555 = arith.addf %add3A_525, %select_n3A_554 : vector<64x128xf32>
        %eq3A_556 = vector.broadcast %convert_element_type3A_540 : f32 to vector<64x128xf32>
        %eq3A_557 = arith.cmpf oeq, %get3A_115, %eq3A_556 : vector<64x128xf32>
        %eq3A_558 = vector.broadcast %convert_element_type3A_540 : f32 to vector<64x128xf32>
        %eq3A_559 = arith.cmpf oeq, %get3A_125, %eq3A_558 : vector<64x128xf32>
        %or3A_560 = arith.ori %eq3A_557, %eq3A_559 : vector<64x128xi1>
        %slice3A_561 = vector.extract_strided_slice %get3A_545 {offsets = [0, 128], sizes = [64, 128], strides = [1, 1]} : vector<64x256xf32> to vector<64x128xf32>
        %jit3A_562 = arith.constant 0.000000e+00 : f32
        %broadcast_in_dim3A_563 = vector.broadcast %jit3A_562 : f32 to vector<64x128xf32>
        %select_n3A_564 = arith.select %or3A_560, %slice3A_561, %broadcast_in_dim3A_563 : vector<64x128xi1>, vector<64x128xf32>
        %add3A_565 = arith.addf %add3A_535, %select_n3A_564 : vector<64x128xf32>
        %mul3A_566 = arith.constant 8 : i32
        %mul3A_567 = arith.muli %while3A_384, %mul3A_566 : i32
        %add3A_568 = arith.constant 6 : i32
        %add3A_569 = arith.addi %mul3A_567, %add3A_568 : i32
        %convert_element_type3A_570 = arith.sitofp %add3A_569 : i32 to f32
        %get3A_571 = arith.index_cast %add3A_569 : i32 to index
        %get3A_572 = arith.constant 0 : index
        %get3A_573 = arith.constant 0 : index
        %get3A_574 = vector.load %arg7[%get3A_571, %get3A_572, %get3A_573] : memref<65x64x256xf32, #tpu.memory_space<vmem>>, vector<1x64x256xf32>
        %get3A_575 = vector.shape_cast %get3A_574 : vector<1x64x256xf32> to vector<64x256xf32>
        %eq3A_576 = vector.broadcast %convert_element_type3A_570 : f32 to vector<64x128xf32>
        %eq3A_577 = arith.cmpf oeq, %get3A_110, %eq3A_576 : vector<64x128xf32>
        %eq3A_578 = vector.broadcast %convert_element_type3A_570 : f32 to vector<64x128xf32>
        %eq3A_579 = arith.cmpf oeq, %get3A_120, %eq3A_578 : vector<64x128xf32>
        %or3A_580 = arith.ori %eq3A_577, %eq3A_579 : vector<64x128xi1>
        %slice3A_581 = vector.extract_strided_slice %get3A_575 {offsets = [0, 0], sizes = [64, 128], strides = [1, 1]} : vector<64x256xf32> to vector<64x128xf32>
        %jit3A_582 = arith.constant 0.000000e+00 : f32
        %broadcast_in_dim3A_583 = vector.broadcast %jit3A_582 : f32 to vector<64x128xf32>
        %select_n3A_584 = arith.select %or3A_580, %slice3A_581, %broadcast_in_dim3A_583 : vector<64x128xi1>, vector<64x128xf32>
        %add3A_585 = arith.addf %add3A_555, %select_n3A_584 : vector<64x128xf32>
        %eq3A_586 = vector.broadcast %convert_element_type3A_570 : f32 to vector<64x128xf32>
        %eq3A_587 = arith.cmpf oeq, %get3A_115, %eq3A_586 : vector<64x128xf32>
        %eq3A_588 = vector.broadcast %convert_element_type3A_570 : f32 to vector<64x128xf32>
        %eq3A_589 = arith.cmpf oeq, %get3A_125, %eq3A_588 : vector<64x128xf32>
        %or3A_590 = arith.ori %eq3A_587, %eq3A_589 : vector<64x128xi1>
        %slice3A_591 = vector.extract_strided_slice %get3A_575 {offsets = [0, 128], sizes = [64, 128], strides = [1, 1]} : vector<64x256xf32> to vector<64x128xf32>
        %jit3A_592 = arith.constant 0.000000e+00 : f32
        %broadcast_in_dim3A_593 = vector.broadcast %jit3A_592 : f32 to vector<64x128xf32>
        %select_n3A_594 = arith.select %or3A_590, %slice3A_591, %broadcast_in_dim3A_593 : vector<64x128xi1>, vector<64x128xf32>
        %add3A_595 = arith.addf %add3A_565, %select_n3A_594 : vector<64x128xf32>
        %mul3A_596 = arith.constant 8 : i32
        %mul3A_597 = arith.muli %while3A_384, %mul3A_596 : i32
        %add3A_598 = arith.constant 7 : i32
        %add3A_599 = arith.addi %mul3A_597, %add3A_598 : i32
        %convert_element_type3A_600 = arith.sitofp %add3A_599 : i32 to f32
        %get3A_601 = arith.index_cast %add3A_599 : i32 to index
        %get3A_602 = arith.constant 0 : index
        %get3A_603 = arith.constant 0 : index
        %get3A_604 = vector.load %arg7[%get3A_601, %get3A_602, %get3A_603] : memref<65x64x256xf32, #tpu.memory_space<vmem>>, vector<1x64x256xf32>
        %get3A_605 = vector.shape_cast %get3A_604 : vector<1x64x256xf32> to vector<64x256xf32>
        %eq3A_606 = vector.broadcast %convert_element_type3A_600 : f32 to vector<64x128xf32>
        %eq3A_607 = arith.cmpf oeq, %get3A_110, %eq3A_606 : vector<64x128xf32>
        %eq3A_608 = vector.broadcast %convert_element_type3A_600 : f32 to vector<64x128xf32>
        %eq3A_609 = arith.cmpf oeq, %get3A_120, %eq3A_608 : vector<64x128xf32>
        %or3A_610 = arith.ori %eq3A_607, %eq3A_609 : vector<64x128xi1>
        %slice3A_611 = vector.extract_strided_slice %get3A_605 {offsets = [0, 0], sizes = [64, 128], strides = [1, 1]} : vector<64x256xf32> to vector<64x128xf32>
        %jit3A_612 = arith.constant 0.000000e+00 : f32
        %broadcast_in_dim3A_613 = vector.broadcast %jit3A_612 : f32 to vector<64x128xf32>
        %select_n3A_614 = arith.select %or3A_610, %slice3A_611, %broadcast_in_dim3A_613 : vector<64x128xi1>, vector<64x128xf32>
        %add3A_615 = arith.addf %add3A_585, %select_n3A_614 : vector<64x128xf32>
        %eq3A_616 = vector.broadcast %convert_element_type3A_600 : f32 to vector<64x128xf32>
        %eq3A_617 = arith.cmpf oeq, %get3A_115, %eq3A_616 : vector<64x128xf32>
        %eq3A_618 = vector.broadcast %convert_element_type3A_600 : f32 to vector<64x128xf32>
        %eq3A_619 = arith.cmpf oeq, %get3A_125, %eq3A_618 : vector<64x128xf32>
        %or3A_620 = arith.ori %eq3A_617, %eq3A_619 : vector<64x128xi1>
        %slice3A_621 = vector.extract_strided_slice %get3A_605 {offsets = [0, 128], sizes = [64, 128], strides = [1, 1]} : vector<64x256xf32> to vector<64x128xf32>
        %jit3A_622 = arith.constant 0.000000e+00 : f32
        %broadcast_in_dim3A_623 = vector.broadcast %jit3A_622 : f32 to vector<64x128xf32>
        %select_n3A_624 = arith.select %or3A_620, %slice3A_621, %broadcast_in_dim3A_623 : vector<64x128xi1>, vector<64x128xf32>
        %add3A_625 = arith.addf %add3A_595, %select_n3A_624 : vector<64x128xf32>
        scf.yield %add3A_615, %add3A_625 : vector<64x128xf32>, vector<64x128xf32>
      }
      %concatenate3A_162 = tpu.concatenate %while3A_161#0, %while3A_161#1 in 1 : vector<64x128xf32>, vector<64x128xf32> -> vector<64x256xf32>
      %get3A_163 = arith.constant 0 : index
      %get3A_164 = arith.constant 0 : index
      %get3A_165 = arith.constant 512 : index
      %get3A_166 = vector.load %arg8[%get3A_163, %get3A_164, %get3A_165] : memref<2x64x768xf32, #tpu.memory_space<vmem>>, vector<1x64x256xf32>
      %get3A_167 = vector.shape_cast %get3A_166 : vector<1x64x256xf32> to vector<64x256xf32>
      %mul3A_168 = arith.mulf %concatenate3A_162, %get3A_167 : vector<64x256xf32>
      %mul3A_169 = arith.constant 64 : i32
      %mul3A_170 = arith.muli %mul3A_105, %mul3A_169 : i32
      %get3A_171 = arith.index_cast %mul3A_170 : i32 to index
      %get3A_172 = arith.constant 0 : index
      %get3A_173 = vector.load %arg0[%get3A_171, %get3A_172] : memref<4096x256xf32, #tpu.memory_space<vmem>>, vector<64x256xf32>
      %dot_general3A_174 = arith.constant dense<0.000000e+00> : vector<64x256xf32>
      %dot_general3A_175 = tpu.matmul %mul3A_168, %get3A_31, %dot_general3A_174 {dimension_numbers = #tpu.dot_dimension_numbers<[1], [0], [0], [1], [0, 0, 1, 1], [], []>, transpose_lhs_hint = false} : vector<64x256xf32>, vector<256x256xf32>, vector<64x256xf32> -> vector<64x256xf32>
      %add3A_176 = arith.addf %get3A_173, %dot_general3A_175 : vector<64x256xf32>
      %lt3A = vector.broadcast %mul3A_105 : i32 to vector<64x1xi32>
      %lt3A_177 = arith.cmpi slt, %lt3A, %max3A_28 : vector<64x1xi32>
      %add3A_178 = vector.broadcast %dot_general3A_15 : vector<1x256xf32> to vector<64x256xf32>
      %add3A_179 = arith.addf %add3A_176, %add3A_178 : vector<64x256xf32>
      %tanh3A = math.tanh %add3A_179 : vector<64x256xf32>
      %jit3A_180 = arith.constant 0.000000e+00 : f32
      %broadcast_in_dim3A_181 = vector.shape_cast %lt3A_177 : vector<64x1xi1> to vector<64x1xi1>
      %broadcast_in_dim3A_182 = vector.broadcast %broadcast_in_dim3A_181 : vector<64x1xi1> to vector<64x256xi1>
      %broadcast_in_dim3A_183 = vector.broadcast %jit3A_180 : f32 to vector<64x256xf32>
      %select_n3A_184 = arith.select %broadcast_in_dim3A_182, %tanh3A, %broadcast_in_dim3A_183 : vector<64x256xi1>, vector<64x256xf32>
      %add3A_185 = arith.constant 1 : i32
      %add3A_186 = arith.addi %mul3A_105, %add3A_185 : i32
      %swap3A_187 = arith.index_cast %add3A_186 : i32 to index
      %swap3A_188 = arith.constant 0 : index
      %swap3A_189 = arith.constant 0 : index
      %swap3A_190 = vector.load %arg7[%swap3A_187, %swap3A_188, %swap3A_189] : memref<65x64x256xf32, #tpu.memory_space<vmem>>, vector<1x64x256xf32>
      %swap3A_191 = vector.shape_cast %swap3A_190 : vector<1x64x256xf32> to vector<64x256xf32>
      %swap3A_192 = vector.shape_cast %select_n3A_184 : vector<64x256xf32> to vector<1x64x256xf32>
      tpu.vector_store %arg7[%swap3A_187, %swap3A_188, %swap3A_189], %swap3A_192 {strides = array<i32>} : memref<65x64x256xf32, #tpu.memory_space<vmem>>, vector<1x64x256xf32>,
      %add3A_193 = arith.constant 1 : i32
      %add3A_194 = arith.addi %mul3A_105, %add3A_193 : i32
      %min3A = arith.constant 63 : i32
      %min3A_195 = arith.minsi %add3A_194, %min3A : i32
      %add3A_196 = arith.constant 1 : i32
      %add3A_197 = arith.addi %min3A_195, %add3A_196 : i32
      %convert_element_type3A_198 = arith.sitofp %add3A_197 : i32 to f32
      %get3A_199 = arith.index_cast %min3A_195 : i32 to index
      %get3A_200 = arith.constant 0 : index
      %get3A_201 = arith.constant 0 : index
      %get3A_202 = vector.load %arg9[%get3A_199, %get3A_200, %get3A_201] : memref<64x64x2xi32, #tpu.memory_space<vmem>>, vector<1x64x2xi32>
      %get3A_203 = vector.shape_cast %get3A_202 : vector<1x64x2xi32> to vector<64x2xi32>
      %convert_element_type3A_204 = arith.sitofp %get3A_203 : vector<64x2xi32> to vector<64x2xf32>
      %div3A_205 = vector.broadcast %convert_element_type3A_198 : f32 to vector<64x2xf32>
      %div3A_206 = arith.divf %convert_element_type3A_204, %div3A_205 : vector<64x2xf32>
      %add3A_207 = arith.constant 1.000000e-03 : f32
      %add3A_208 = vector.broadcast %add3A_207 : f32 to vector<64x2xf32>
      %add3A_209 = arith.addf %div3A_206, %add3A_208 : vector<64x2xf32>
      %floor3A_210 = math.floor %add3A_209 : vector<64x2xf32>
      %mul3A_211 = vector.broadcast %convert_element_type3A_198 : f32 to vector<64x2xf32>
      %mul3A_212 = arith.mulf %mul3A_211, %floor3A_210 : vector<64x2xf32>
      %sub3A_213 = arith.subf %convert_element_type3A_204, %mul3A_212 : vector<64x2xf32>
      %slice3A_214 = vector.extract_strided_slice %sub3A_213 {offsets = [0, 0], sizes = [64, 1], strides = [1, 1]} : vector<64x2xf32> to vector<64x1xf32>
      %slice3A_215 = vector.extract_strided_slice %sub3A_213 {offsets = [0, 1], sizes = [64, 1], strides = [1, 1]} : vector<64x2xf32> to vector<64x1xf32>
      %eq3A_216 = arith.cmpf oeq, %slice3A_214, %slice3A_215 : vector<64x1xf32>
      %jit3A_217 = arith.constant -1.000000e+00 : f32
      %broadcast_in_dim3A_218 = vector.broadcast %jit3A_217 : f32 to vector<64x1xf32>
      %select_n3A_219 = arith.select %eq3A_216, %broadcast_in_dim3A_218, %slice3A_215 : vector<64x1xi1>, vector<64x1xf32>
      %jit3A_220 = arith.constant 2.000000e+00 : f32
      %jit3A_221 = arith.constant 1.000000e+00 : f32
      %broadcast_in_dim3A_222 = vector.broadcast %jit3A_220 : f32 to vector<64x1xf32>
      %broadcast_in_dim3A_223 = vector.broadcast %jit3A_221 : f32 to vector<64x1xf32>
      %select_n3A_224 = arith.select %eq3A_216, %broadcast_in_dim3A_222, %broadcast_in_dim3A_223 : vector<64x1xi1>, vector<64x1xf32>
      %concatenate3A_225 = tpu.concatenate %slice3A_214, %select_n3A_219, %select_n3A_224 in 1 : vector<64x1xf32>, vector<64x1xf32>, vector<64x1xf32> -> vector<64x3xf32>
      %dot_general3A_226 = arith.constant dense<0.000000e+00> : vector<64x768xf32>
      %dot_general3A_227 = tpu.matmul %concatenate3A_225, %convert_element_type3A_57, %dot_general3A_226 {dimension_numbers = #tpu.dot_dimension_numbers<[1], [0], [0], [1], [0, 0, 1, 1], [], []>, transpose_lhs_hint = false} : vector<64x3xf32>, vector<3x768xf32>, vector<64x768xf32> -> vector<64x768xf32>
      %swap3A_228 = arith.constant 1 : index
      %swap3A_229 = arith.constant 0 : index
      %swap3A_230 = arith.constant 0 : index
      %swap3A_231 = vector.load %arg8[%swap3A_228, %swap3A_229, %swap3A_230] : memref<2x64x768xf32, #tpu.memory_space<vmem>>, vector<1x64x768xf32>
      %swap3A_232 = vector.shape_cast %swap3A_231 : vector<1x64x768xf32> to vector<64x768xf32>
      %swap3A_233 = vector.shape_cast %dot_general3A_227 : vector<64x768xf32> to vector<1x64x768xf32>
      tpu.vector_store %arg8[%swap3A_228, %swap3A_229, %swap3A_230], %swap3A_233 {strides = array<i32>} : memref<2x64x768xf32, #tpu.memory_space<vmem>>, vector<1x64x768xf32>,
      %add3A_234 = arith.constant 1 : i32
      %add3A_235 = arith.addi %mul3A_105, %add3A_234 : i32
      %eq3A_236 = vector.broadcast %add3A_235 : i32 to vector<64x1xi32>
      %eq3A_237 = arith.cmpi eq, %max3A_28, %eq3A_236 : vector<64x1xi32>
      %broadcast_in_dim3A_238 = vector.shape_cast %eq3A_237 : vector<64x1xi1> to vector<64x1xi1>
      %broadcast_in_dim3A_239 = vector.broadcast %broadcast_in_dim3A_238 : vector<64x1xi1> to vector<64x256xi1>
      %select_n3A_240 = arith.select %broadcast_in_dim3A_239, %select_n3A_184, %scan3A_103 : vector<64x256xi1>, vector<64x256xf32>
      %mul3A_241 = arith.constant 2 : i32
      %mul3A_242 = arith.muli %mul3A_241, %scan3A_102 : i32
      %add3A_243 = arith.constant 1 : i32
      %add3A_244 = arith.addi %mul3A_242, %add3A_243 : i32
      %get3A_245 = arith.constant 1 : index
      %get3A_246 = arith.constant 0 : index
      %get3A_247 = arith.constant 0 : index
      %get3A_248 = vector.load %arg8[%get3A_245, %get3A_246, %get3A_247] : memref<2x64x768xf32, #tpu.memory_space<vmem>>, vector<1x64x128xf32>
      %get3A_249 = vector.shape_cast %get3A_248 : vector<1x64x128xf32> to vector<64x128xf32>
      %get3A_250 = arith.constant 1 : index
      %get3A_251 = arith.constant 0 : index
      %get3A_252 = arith.constant 128 : index
      %get3A_253 = vector.load %arg8[%get3A_250, %get3A_251, %get3A_252] : memref<2x64x768xf32, #tpu.memory_space<vmem>>, vector<1x64x128xf32>
      %get3A_254 = vector.shape_cast %get3A_253 : vector<1x64x128xf32> to vector<64x128xf32>
      %get3A_255 = arith.constant 1 : index
      %get3A_256 = arith.constant 0 : index
      %get3A_257 = arith.constant 256 : index
      %get3A_258 = vector.load %arg8[%get3A_255, %get3A_256, %get3A_257] : memref<2x64x768xf32, #tpu.memory_space<vmem>>, vector<1x64x128xf32>
      %get3A_259 = vector.shape_cast %get3A_258 : vector<1x64x128xf32> to vector<64x128xf32>
      %get3A_260 = arith.constant 1 : index
      %get3A_261 = arith.constant 0 : index
      %get3A_262 = arith.constant 384 : index
      %get3A_263 = vector.load %arg8[%get3A_260, %get3A_261, %get3A_262] : memref<2x64x768xf32, #tpu.memory_space<vmem>>, vector<1x64x128xf32>
      %get3A_264 = vector.shape_cast %get3A_263 : vector<1x64x128xf32> to vector<64x128xf32>
      %jit3A_265 = arith.constant 8 : i32
      %div3A_266 = arith.divsi %add3A_244, %jit3A_265 : i32
      %sign3A_267 = arith.constant 0 : i32
      %sign3A_268 = arith.cmpi sgt, %add3A_244, %sign3A_267 : i32
      %sign3A_269 = arith.extui %sign3A_268 : i1 to i32
      %sign3A_270 = arith.constant 0 : i32
      %sign3A_271 = arith.cmpi slt, %add3A_244, %sign3A_270 : i32
      %sign3A_272 = arith.extui %sign3A_271 : i1 to i32
      %sign3A_273 = arith.subi %sign3A_269, %sign3A_272 : i32
      %sign3A_274 = arith.constant 0 : i32
      %sign3A_275 = arith.cmpi sgt, %jit3A_265, %sign3A_274 : i32
      %sign3A_276 = arith.extui %sign3A_275 : i1 to i32
      %sign3A_277 = arith.constant 0 : i32
      %sign3A_278 = arith.cmpi slt, %jit3A_265, %sign3A_277 : i32
      %sign3A_279 = arith.extui %sign3A_278 : i1 to i32
      %sign3A_280 = arith.subi %sign3A_276, %sign3A_279 : i32
      %ne3A_281 = arith.cmpi ne, %sign3A_273, %sign3A_280 : i32
      %rem3A_282 = arith.remsi %add3A_244, %jit3A_265 : i32
      %ne3A_283 = arith.constant 0 : i32
      %ne3A_284 = arith.cmpi ne, %rem3A_282, %ne3A_283 : i32
      %and3A_285 = arith.andi %ne3A_281, %ne3A_284 : i1
      %sub3A_286 = arith.constant 1 : i32
      %sub3A_287 = arith.subi %div3A_266, %sub3A_286 : i32
      %select_n3A_288 = arith.select %and3A_285, %sub3A_287, %div3A_266 : i32
      %add3A_289 = arith.constant 1 : i32
      %add3A_290 = arith.addi %select_n3A_288, %add3A_289 : i32
      %while3A_291 = arith.constant 0 : i32
      %while3A_292 = arith.subi %add3A_290, %while3A_291 : i32
      %while3A_293 = arith.addi %while3A_291, %while3A_292 : i32
      %while3A_294 = arith.constant 1 : i32
      %while3A_295 = arith.divsi %while3A_292, %while3A_294 : i32
      %while3A_296 = arith.muli %while3A_295, %while3A_294 : i32
      %while3A_297 = arith.addi %while3A_291, %while3A_296 : i32
      %while3A_298 = arith.constant 1 : i32
      %while3A_299:2 = scf.for %while3A_384 = %while3A_291 to %while3A_297 step %while3A_298 iter_args(%while3A_385 = %broadcast_in_dim3A_59, %while3A_386 = %broadcast_in_dim3A_59) -> (vector<64x128xf32>, vector<64x128xf32>)  : i32 {
        %mul3A_387 = arith.constant 8 : i32
        %mul3A_388 = arith.muli %while3A_384, %mul3A_387 : i32
        %add3A_389 = arith.constant 0 : i32
        %add3A_390 = arith.addi %mul3A_388, %add3A_389 : i32
        %convert_element_type3A_391 = arith.sitofp %add3A_390 : i32 to f32
        %get3A_392 = arith.index_cast %add3A_390 : i32 to index
        %get3A_393 = arith.constant 0 : index
        %get3A_394 = arith.constant 0 : index
        %get3A_395 = vector.load %arg7[%get3A_392, %get3A_393, %get3A_394] : memref<65x64x256xf32, #tpu.memory_space<vmem>>, vector<1x64x256xf32>
        %get3A_396 = vector.shape_cast %get3A_395 : vector<1x64x256xf32> to vector<64x256xf32>
        %eq3A_397 = vector.broadcast %convert_element_type3A_391 : f32 to vector<64x128xf32>
        %eq3A_398 = arith.cmpf oeq, %get3A_249, %eq3A_397 : vector<64x128xf32>
        %eq3A_399 = vector.broadcast %convert_element_type3A_391 : f32 to vector<64x128xf32>
        %eq3A_400 = arith.cmpf oeq, %get3A_259, %eq3A_399 : vector<64x128xf32>
        %or3A = arith.ori %eq3A_398, %eq3A_400 : vector<64x128xi1>
        %slice3A_401 = vector.extract_strided_slice %get3A_396 {offsets = [0, 0], sizes = [64, 128], strides = [1, 1]} : vector<64x256xf32> to vector<64x128xf32>
        %jit3A_402 = arith.constant 0.000000e+00 : f32
        %broadcast_in_dim3A_403 = vector.broadcast %jit3A_402 : f32 to vector<64x128xf32>
        %select_n3A_404 = arith.select %or3A, %slice3A_401, %broadcast_in_dim3A_403 : vector<64x128xi1>, vector<64x128xf32>
        %add3A_405 = arith.addf %while3A_385, %select_n3A_404 : vector<64x128xf32>
        %eq3A_406 = vector.broadcast %convert_element_type3A_391 : f32 to vector<64x128xf32>
        %eq3A_407 = arith.cmpf oeq, %get3A_254, %eq3A_406 : vector<64x128xf32>
        %eq3A_408 = vector.broadcast %convert_element_type3A_391 : f32 to vector<64x128xf32>
        %eq3A_409 = arith.cmpf oeq, %get3A_264, %eq3A_408 : vector<64x128xf32>
        %or3A_410 = arith.ori %eq3A_407, %eq3A_409 : vector<64x128xi1>
        %slice3A_411 = vector.extract_strided_slice %get3A_396 {offsets = [0, 128], sizes = [64, 128], strides = [1, 1]} : vector<64x256xf32> to vector<64x128xf32>
        %jit3A_412 = arith.constant 0.000000e+00 : f32
        %broadcast_in_dim3A_413 = vector.broadcast %jit3A_412 : f32 to vector<64x128xf32>
        %select_n3A_414 = arith.select %or3A_410, %slice3A_411, %broadcast_in_dim3A_413 : vector<64x128xi1>, vector<64x128xf32>
        %add3A_415 = arith.addf %while3A_386, %select_n3A_414 : vector<64x128xf32>
        %mul3A_416 = arith.constant 8 : i32
        %mul3A_417 = arith.muli %while3A_384, %mul3A_416 : i32
        %add3A_418 = arith.constant 1 : i32
        %add3A_419 = arith.addi %mul3A_417, %add3A_418 : i32
        %convert_element_type3A_420 = arith.sitofp %add3A_419 : i32 to f32
        %get3A_421 = arith.index_cast %add3A_419 : i32 to index
        %get3A_422 = arith.constant 0 : index
        %get3A_423 = arith.constant 0 : index
        %get3A_424 = vector.load %arg7[%get3A_421, %get3A_422, %get3A_423] : memref<65x64x256xf32, #tpu.memory_space<vmem>>, vector<1x64x256xf32>
        %get3A_425 = vector.shape_cast %get3A_424 : vector<1x64x256xf32> to vector<64x256xf32>
        %eq3A_426 = vector.broadcast %convert_element_type3A_420 : f32 to vector<64x128xf32>
        %eq3A_427 = arith.cmpf oeq, %get3A_249, %eq3A_426 : vector<64x128xf32>
        %eq3A_428 = vector.broadcast %convert_element_type3A_420 : f32 to vector<64x128xf32>
        %eq3A_429 = arith.cmpf oeq, %get3A_259, %eq3A_428 : vector<64x128xf32>
        %or3A_430 = arith.ori %eq3A_427, %eq3A_429 : vector<64x128xi1>
        %slice3A_431 = vector.extract_strided_slice %get3A_425 {offsets = [0, 0], sizes = [64, 128], strides = [1, 1]} : vector<64x256xf32> to vector<64x128xf32>
        %jit3A_432 = arith.constant 0.000000e+00 : f32
        %broadcast_in_dim3A_433 = vector.broadcast %jit3A_432 : f32 to vector<64x128xf32>
        %select_n3A_434 = arith.select %or3A_430, %slice3A_431, %broadcast_in_dim3A_433 : vector<64x128xi1>, vector<64x128xf32>
        %add3A_435 = arith.addf %add3A_405, %select_n3A_434 : vector<64x128xf32>
        %eq3A_436 = vector.broadcast %convert_element_type3A_420 : f32 to vector<64x128xf32>
        %eq3A_437 = arith.cmpf oeq, %get3A_254, %eq3A_436 : vector<64x128xf32>
        %eq3A_438 = vector.broadcast %convert_element_type3A_420 : f32 to vector<64x128xf32>
        %eq3A_439 = arith.cmpf oeq, %get3A_264, %eq3A_438 : vector<64x128xf32>
        %or3A_440 = arith.ori %eq3A_437, %eq3A_439 : vector<64x128xi1>
        %slice3A_441 = vector.extract_strided_slice %get3A_425 {offsets = [0, 128], sizes = [64, 128], strides = [1, 1]} : vector<64x256xf32> to vector<64x128xf32>
        %jit3A_442 = arith.constant 0.000000e+00 : f32
        %broadcast_in_dim3A_443 = vector.broadcast %jit3A_442 : f32 to vector<64x128xf32>
        %select_n3A_444 = arith.select %or3A_440, %slice3A_441, %broadcast_in_dim3A_443 : vector<64x128xi1>, vector<64x128xf32>
        %add3A_445 = arith.addf %add3A_415, %select_n3A_444 : vector<64x128xf32>
        %mul3A_446 = arith.constant 8 : i32
        %mul3A_447 = arith.muli %while3A_384, %mul3A_446 : i32
        %add3A_448 = arith.constant 2 : i32
        %add3A_449 = arith.addi %mul3A_447, %add3A_448 : i32
        %convert_element_type3A_450 = arith.sitofp %add3A_449 : i32 to f32
        %get3A_451 = arith.index_cast %add3A_449 : i32 to index
        %get3A_452 = arith.constant 0 : index
        %get3A_453 = arith.constant 0 : index
        %get3A_454 = vector.load %arg7[%get3A_451, %get3A_452, %get3A_453] : memref<65x64x256xf32, #tpu.memory_space<vmem>>, vector<1x64x256xf32>
        %get3A_455 = vector.shape_cast %get3A_454 : vector<1x64x256xf32> to vector<64x256xf32>
        %eq3A_456 = vector.broadcast %convert_element_type3A_450 : f32 to vector<64x128xf32>
        %eq3A_457 = arith.cmpf oeq, %get3A_249, %eq3A_456 : vector<64x128xf32>
        %eq3A_458 = vector.broadcast %convert_element_type3A_450 : f32 to vector<64x128xf32>
        %eq3A_459 = arith.cmpf oeq, %get3A_259, %eq3A_458 : vector<64x128xf32>
        %or3A_460 = arith.ori %eq3A_457, %eq3A_459 : vector<64x128xi1>
        %slice3A_461 = vector.extract_strided_slice %get3A_455 {offsets = [0, 0], sizes = [64, 128], strides = [1, 1]} : vector<64x256xf32> to vector<64x128xf32>
        %jit3A_462 = arith.constant 0.000000e+00 : f32
        %broadcast_in_dim3A_463 = vector.broadcast %jit3A_462 : f32 to vector<64x128xf32>
        %select_n3A_464 = arith.select %or3A_460, %slice3A_461, %broadcast_in_dim3A_463 : vector<64x128xi1>, vector<64x128xf32>
        %add3A_465 = arith.addf %add3A_435, %select_n3A_464 : vector<64x128xf32>
        %eq3A_466 = vector.broadcast %convert_element_type3A_450 : f32 to vector<64x128xf32>
        %eq3A_467 = arith.cmpf oeq, %get3A_254, %eq3A_466 : vector<64x128xf32>
        %eq3A_468 = vector.broadcast %convert_element_type3A_450 : f32 to vector<64x128xf32>
        %eq3A_469 = arith.cmpf oeq, %get3A_264, %eq3A_468 : vector<64x128xf32>
        %or3A_470 = arith.ori %eq3A_467, %eq3A_469 : vector<64x128xi1>
        %slice3A_471 = vector.extract_strided_slice %get3A_455 {offsets = [0, 128], sizes = [64, 128], strides = [1, 1]} : vector<64x256xf32> to vector<64x128xf32>
        %jit3A_472 = arith.constant 0.000000e+00 : f32
        %broadcast_in_dim3A_473 = vector.broadcast %jit3A_472 : f32 to vector<64x128xf32>
        %select_n3A_474 = arith.select %or3A_470, %slice3A_471, %broadcast_in_dim3A_473 : vector<64x128xi1>, vector<64x128xf32>
        %add3A_475 = arith.addf %add3A_445, %select_n3A_474 : vector<64x128xf32>
        %mul3A_476 = arith.constant 8 : i32
        %mul3A_477 = arith.muli %while3A_384, %mul3A_476 : i32
        %add3A_478 = arith.constant 3 : i32
        %add3A_479 = arith.addi %mul3A_477, %add3A_478 : i32
        %convert_element_type3A_480 = arith.sitofp %add3A_479 : i32 to f32
        %get3A_481 = arith.index_cast %add3A_479 : i32 to index
        %get3A_482 = arith.constant 0 : index
        %get3A_483 = arith.constant 0 : index
        %get3A_484 = vector.load %arg7[%get3A_481, %get3A_482, %get3A_483] : memref<65x64x256xf32, #tpu.memory_space<vmem>>, vector<1x64x256xf32>
        %get3A_485 = vector.shape_cast %get3A_484 : vector<1x64x256xf32> to vector<64x256xf32>
        %eq3A_486 = vector.broadcast %convert_element_type3A_480 : f32 to vector<64x128xf32>
        %eq3A_487 = arith.cmpf oeq, %get3A_249, %eq3A_486 : vector<64x128xf32>
        %eq3A_488 = vector.broadcast %convert_element_type3A_480 : f32 to vector<64x128xf32>
        %eq3A_489 = arith.cmpf oeq, %get3A_259, %eq3A_488 : vector<64x128xf32>
        %or3A_490 = arith.ori %eq3A_487, %eq3A_489 : vector<64x128xi1>
        %slice3A_491 = vector.extract_strided_slice %get3A_485 {offsets = [0, 0], sizes = [64, 128], strides = [1, 1]} : vector<64x256xf32> to vector<64x128xf32>
        %jit3A_492 = arith.constant 0.000000e+00 : f32
        %broadcast_in_dim3A_493 = vector.broadcast %jit3A_492 : f32 to vector<64x128xf32>
        %select_n3A_494 = arith.select %or3A_490, %slice3A_491, %broadcast_in_dim3A_493 : vector<64x128xi1>, vector<64x128xf32>
        %add3A_495 = arith.addf %add3A_465, %select_n3A_494 : vector<64x128xf32>
        %eq3A_496 = vector.broadcast %convert_element_type3A_480 : f32 to vector<64x128xf32>
        %eq3A_497 = arith.cmpf oeq, %get3A_254, %eq3A_496 : vector<64x128xf32>
        %eq3A_498 = vector.broadcast %convert_element_type3A_480 : f32 to vector<64x128xf32>
        %eq3A_499 = arith.cmpf oeq, %get3A_264, %eq3A_498 : vector<64x128xf32>
        %or3A_500 = arith.ori %eq3A_497, %eq3A_499 : vector<64x128xi1>
        %slice3A_501 = vector.extract_strided_slice %get3A_485 {offsets = [0, 128], sizes = [64, 128], strides = [1, 1]} : vector<64x256xf32> to vector<64x128xf32>
        %jit3A_502 = arith.constant 0.000000e+00 : f32
        %broadcast_in_dim3A_503 = vector.broadcast %jit3A_502 : f32 to vector<64x128xf32>
        %select_n3A_504 = arith.select %or3A_500, %slice3A_501, %broadcast_in_dim3A_503 : vector<64x128xi1>, vector<64x128xf32>
        %add3A_505 = arith.addf %add3A_475, %select_n3A_504 : vector<64x128xf32>
        %mul3A_506 = arith.constant 8 : i32
        %mul3A_507 = arith.muli %while3A_384, %mul3A_506 : i32
        %add3A_508 = arith.constant 4 : i32
        %add3A_509 = arith.addi %mul3A_507, %add3A_508 : i32
        %convert_element_type3A_510 = arith.sitofp %add3A_509 : i32 to f32
        %get3A_511 = arith.index_cast %add3A_509 : i32 to index
        %get3A_512 = arith.constant 0 : index
        %get3A_513 = arith.constant 0 : index
        %get3A_514 = vector.load %arg7[%get3A_511, %get3A_512, %get3A_513] : memref<65x64x256xf32, #tpu.memory_space<vmem>>, vector<1x64x256xf32>
        %get3A_515 = vector.shape_cast %get3A_514 : vector<1x64x256xf32> to vector<64x256xf32>
        %eq3A_516 = vector.broadcast %convert_element_type3A_510 : f32 to vector<64x128xf32>
        %eq3A_517 = arith.cmpf oeq, %get3A_249, %eq3A_516 : vector<64x128xf32>
        %eq3A_518 = vector.broadcast %convert_element_type3A_510 : f32 to vector<64x128xf32>
        %eq3A_519 = arith.cmpf oeq, %get3A_259, %eq3A_518 : vector<64x128xf32>
        %or3A_520 = arith.ori %eq3A_517, %eq3A_519 : vector<64x128xi1>
        %slice3A_521 = vector.extract_strided_slice %get3A_515 {offsets = [0, 0], sizes = [64, 128], strides = [1, 1]} : vector<64x256xf32> to vector<64x128xf32>
        %jit3A_522 = arith.constant 0.000000e+00 : f32
        %broadcast_in_dim3A_523 = vector.broadcast %jit3A_522 : f32 to vector<64x128xf32>
        %select_n3A_524 = arith.select %or3A_520, %slice3A_521, %broadcast_in_dim3A_523 : vector<64x128xi1>, vector<64x128xf32>
        %add3A_525 = arith.addf %add3A_495, %select_n3A_524 : vector<64x128xf32>
        %eq3A_526 = vector.broadcast %convert_element_type3A_510 : f32 to vector<64x128xf32>
        %eq3A_527 = arith.cmpf oeq, %get3A_254, %eq3A_526 : vector<64x128xf32>
        %eq3A_528 = vector.broadcast %convert_element_type3A_510 : f32 to vector<64x128xf32>
        %eq3A_529 = arith.cmpf oeq, %get3A_264, %eq3A_528 : vector<64x128xf32>
        %or3A_530 = arith.ori %eq3A_527, %eq3A_529 : vector<64x128xi1>
        %slice3A_531 = vector.extract_strided_slice %get3A_515 {offsets = [0, 128], sizes = [64, 128], strides = [1, 1]} : vector<64x256xf32> to vector<64x128xf32>
        %jit3A_532 = arith.constant 0.000000e+00 : f32
        %broadcast_in_dim3A_533 = vector.broadcast %jit3A_532 : f32 to vector<64x128xf32>
        %select_n3A_534 = arith.select %or3A_530, %slice3A_531, %broadcast_in_dim3A_533 : vector<64x128xi1>, vector<64x128xf32>
        %add3A_535 = arith.addf %add3A_505, %select_n3A_534 : vector<64x128xf32>
        %mul3A_536 = arith.constant 8 : i32
        %mul3A_537 = arith.muli %while3A_384, %mul3A_536 : i32
        %add3A_538 = arith.constant 5 : i32
        %add3A_539 = arith.addi %mul3A_537, %add3A_538 : i32
        %convert_element_type3A_540 = arith.sitofp %add3A_539 : i32 to f32
        %get3A_541 = arith.index_cast %add3A_539 : i32 to index
        %get3A_542 = arith.constant 0 : index
        %get3A_543 = arith.constant 0 : index
        %get3A_544 = vector.load %arg7[%get3A_541, %get3A_542, %get3A_543] : memref<65x64x256xf32, #tpu.memory_space<vmem>>, vector<1x64x256xf32>
        %get3A_545 = vector.shape_cast %get3A_544 : vector<1x64x256xf32> to vector<64x256xf32>
        %eq3A_546 = vector.broadcast %convert_element_type3A_540 : f32 to vector<64x128xf32>
        %eq3A_547 = arith.cmpf oeq, %get3A_249, %eq3A_546 : vector<64x128xf32>
        %eq3A_548 = vector.broadcast %convert_element_type3A_540 : f32 to vector<64x128xf32>
        %eq3A_549 = arith.cmpf oeq, %get3A_259, %eq3A_548 : vector<64x128xf32>
        %or3A_550 = arith.ori %eq3A_547, %eq3A_549 : vector<64x128xi1>
        %slice3A_551 = vector.extract_strided_slice %get3A_545 {offsets = [0, 0], sizes = [64, 128], strides = [1, 1]} : vector<64x256xf32> to vector<64x128xf32>
        %jit3A_552 = arith.constant 0.000000e+00 : f32
        %broadcast_in_dim3A_553 = vector.broadcast %jit3A_552 : f32 to vector<64x128xf32>
        %select_n3A_554 = arith.select %or3A_550, %slice3A_551, %broadcast_in_dim3A_553 : vector<64x128xi1>, vector<64x128xf32>
        %add3A_555 = arith.addf %add3A_525, %select_n3A_554 : vector<64x128xf32>
        %eq3A_556 = vector.broadcast %convert_element_type3A_540 : f32 to vector<64x128xf32>
        %eq3A_557 = arith.cmpf oeq, %get3A_254, %eq3A_556 : vector<64x128xf32>
        %eq3A_558 = vector.broadcast %convert_element_type3A_540 : f32 to vector<64x128xf32>
        %eq3A_559 = arith.cmpf oeq, %get3A_264, %eq3A_558 : vector<64x128xf32>
        %or3A_560 = arith.ori %eq3A_557, %eq3A_559 : vector<64x128xi1>
        %slice3A_561 = vector.extract_strided_slice %get3A_545 {offsets = [0, 128], sizes = [64, 128], strides = [1, 1]} : vector<64x256xf32> to vector<64x128xf32>
        %jit3A_562 = arith.constant 0.000000e+00 : f32
        %broadcast_in_dim3A_563 = vector.broadcast %jit3A_562 : f32 to vector<64x128xf32>
        %select_n3A_564 = arith.select %or3A_560, %slice3A_561, %broadcast_in_dim3A_563 : vector<64x128xi1>, vector<64x128xf32>
        %add3A_565 = arith.addf %add3A_535, %select_n3A_564 : vector<64x128xf32>
        %mul3A_566 = arith.constant 8 : i32
        %mul3A_567 = arith.muli %while3A_384, %mul3A_566 : i32
        %add3A_568 = arith.constant 6 : i32
        %add3A_569 = arith.addi %mul3A_567, %add3A_568 : i32
        %convert_element_type3A_570 = arith.sitofp %add3A_569 : i32 to f32
        %get3A_571 = arith.index_cast %add3A_569 : i32 to index
        %get3A_572 = arith.constant 0 : index
        %get3A_573 = arith.constant 0 : index
        %get3A_574 = vector.load %arg7[%get3A_571, %get3A_572, %get3A_573] : memref<65x64x256xf32, #tpu.memory_space<vmem>>, vector<1x64x256xf32>
        %get3A_575 = vector.shape_cast %get3A_574 : vector<1x64x256xf32> to vector<64x256xf32>
        %eq3A_576 = vector.broadcast %convert_element_type3A_570 : f32 to vector<64x128xf32>
        %eq3A_577 = arith.cmpf oeq, %get3A_249, %eq3A_576 : vector<64x128xf32>
        %eq3A_578 = vector.broadcast %convert_element_type3A_570 : f32 to vector<64x128xf32>
        %eq3A_579 = arith.cmpf oeq, %get3A_259, %eq3A_578 : vector<64x128xf32>
        %or3A_580 = arith.ori %eq3A_577, %eq3A_579 : vector<64x128xi1>
        %slice3A_581 = vector.extract_strided_slice %get3A_575 {offsets = [0, 0], sizes = [64, 128], strides = [1, 1]} : vector<64x256xf32> to vector<64x128xf32>
        %jit3A_582 = arith.constant 0.000000e+00 : f32
        %broadcast_in_dim3A_583 = vector.broadcast %jit3A_582 : f32 to vector<64x128xf32>
        %select_n3A_584 = arith.select %or3A_580, %slice3A_581, %broadcast_in_dim3A_583 : vector<64x128xi1>, vector<64x128xf32>
        %add3A_585 = arith.addf %add3A_555, %select_n3A_584 : vector<64x128xf32>
        %eq3A_586 = vector.broadcast %convert_element_type3A_570 : f32 to vector<64x128xf32>
        %eq3A_587 = arith.cmpf oeq, %get3A_254, %eq3A_586 : vector<64x128xf32>
        %eq3A_588 = vector.broadcast %convert_element_type3A_570 : f32 to vector<64x128xf32>
        %eq3A_589 = arith.cmpf oeq, %get3A_264, %eq3A_588 : vector<64x128xf32>
        %or3A_590 = arith.ori %eq3A_587, %eq3A_589 : vector<64x128xi1>
        %slice3A_591 = vector.extract_strided_slice %get3A_575 {offsets = [0, 128], sizes = [64, 128], strides = [1, 1]} : vector<64x256xf32> to vector<64x128xf32>
        %jit3A_592 = arith.constant 0.000000e+00 : f32
        %broadcast_in_dim3A_593 = vector.broadcast %jit3A_592 : f32 to vector<64x128xf32>
        %select_n3A_594 = arith.select %or3A_590, %slice3A_591, %broadcast_in_dim3A_593 : vector<64x128xi1>, vector<64x128xf32>
        %add3A_595 = arith.addf %add3A_565, %select_n3A_594 : vector<64x128xf32>
        %mul3A_596 = arith.constant 8 : i32
        %mul3A_597 = arith.muli %while3A_384, %mul3A_596 : i32
        %add3A_598 = arith.constant 7 : i32
        %add3A_599 = arith.addi %mul3A_597, %add3A_598 : i32
        %convert_element_type3A_600 = arith.sitofp %add3A_599 : i32 to f32
        %get3A_601 = arith.index_cast %add3A_599 : i32 to index
        %get3A_602 = arith.constant 0 : index
        %get3A_603 = arith.constant 0 : index
        %get3A_604 = vector.load %arg7[%get3A_601, %get3A_602, %get3A_603] : memref<65x64x256xf32, #tpu.memory_space<vmem>>, vector<1x64x256xf32>
        %get3A_605 = vector.shape_cast %get3A_604 : vector<1x64x256xf32> to vector<64x256xf32>
        %eq3A_606 = vector.broadcast %convert_element_type3A_600 : f32 to vector<64x128xf32>
        %eq3A_607 = arith.cmpf oeq, %get3A_249, %eq3A_606 : vector<64x128xf32>
        %eq3A_608 = vector.broadcast %convert_element_type3A_600 : f32 to vector<64x128xf32>
        %eq3A_609 = arith.cmpf oeq, %get3A_259, %eq3A_608 : vector<64x128xf32>
        %or3A_610 = arith.ori %eq3A_607, %eq3A_609 : vector<64x128xi1>
        %slice3A_611 = vector.extract_strided_slice %get3A_605 {offsets = [0, 0], sizes = [64, 128], strides = [1, 1]} : vector<64x256xf32> to vector<64x128xf32>
        %jit3A_612 = arith.constant 0.000000e+00 : f32
        %broadcast_in_dim3A_613 = vector.broadcast %jit3A_612 : f32 to vector<64x128xf32>
        %select_n3A_614 = arith.select %or3A_610, %slice3A_611, %broadcast_in_dim3A_613 : vector<64x128xi1>, vector<64x128xf32>
        %add3A_615 = arith.addf %add3A_585, %select_n3A_614 : vector<64x128xf32>
        %eq3A_616 = vector.broadcast %convert_element_type3A_600 : f32 to vector<64x128xf32>
        %eq3A_617 = arith.cmpf oeq, %get3A_254, %eq3A_616 : vector<64x128xf32>
        %eq3A_618 = vector.broadcast %convert_element_type3A_600 : f32 to vector<64x128xf32>
        %eq3A_619 = arith.cmpf oeq, %get3A_264, %eq3A_618 : vector<64x128xf32>
        %or3A_620 = arith.ori %eq3A_617, %eq3A_619 : vector<64x128xi1>
        %slice3A_621 = vector.extract_strided_slice %get3A_605 {offsets = [0, 128], sizes = [64, 128], strides = [1, 1]} : vector<64x256xf32> to vector<64x128xf32>
        %jit3A_622 = arith.constant 0.000000e+00 : f32
        %broadcast_in_dim3A_623 = vector.broadcast %jit3A_622 : f32 to vector<64x128xf32>
        %select_n3A_624 = arith.select %or3A_620, %slice3A_621, %broadcast_in_dim3A_623 : vector<64x128xi1>, vector<64x128xf32>
        %add3A_625 = arith.addf %add3A_595, %select_n3A_624 : vector<64x128xf32>
        scf.yield %add3A_615, %add3A_625 : vector<64x128xf32>, vector<64x128xf32>
      }
      %while3A_300 = arith.constant 1 : i32
      %while3A_301:2 = scf.for %while3A_384 = %while3A_297 to %while3A_293 step %while3A_300 iter_args(%while3A_385 = %while3A_299#0, %while3A_386 = %while3A_299#1) -> (vector<64x128xf32>, vector<64x128xf32>)  : i32 {
        %mul3A_387 = arith.constant 8 : i32
        %mul3A_388 = arith.muli %while3A_384, %mul3A_387 : i32
        %add3A_389 = arith.constant 0 : i32
        %add3A_390 = arith.addi %mul3A_388, %add3A_389 : i32
        %convert_element_type3A_391 = arith.sitofp %add3A_390 : i32 to f32
        %get3A_392 = arith.index_cast %add3A_390 : i32 to index
        %get3A_393 = arith.constant 0 : index
        %get3A_394 = arith.constant 0 : index
        %get3A_395 = vector.load %arg7[%get3A_392, %get3A_393, %get3A_394] : memref<65x64x256xf32, #tpu.memory_space<vmem>>, vector<1x64x256xf32>
        %get3A_396 = vector.shape_cast %get3A_395 : vector<1x64x256xf32> to vector<64x256xf32>
        %eq3A_397 = vector.broadcast %convert_element_type3A_391 : f32 to vector<64x128xf32>
        %eq3A_398 = arith.cmpf oeq, %get3A_249, %eq3A_397 : vector<64x128xf32>
        %eq3A_399 = vector.broadcast %convert_element_type3A_391 : f32 to vector<64x128xf32>
        %eq3A_400 = arith.cmpf oeq, %get3A_259, %eq3A_399 : vector<64x128xf32>
        %or3A = arith.ori %eq3A_398, %eq3A_400 : vector<64x128xi1>
        %slice3A_401 = vector.extract_strided_slice %get3A_396 {offsets = [0, 0], sizes = [64, 128], strides = [1, 1]} : vector<64x256xf32> to vector<64x128xf32>
        %jit3A_402 = arith.constant 0.000000e+00 : f32
        %broadcast_in_dim3A_403 = vector.broadcast %jit3A_402 : f32 to vector<64x128xf32>
        %select_n3A_404 = arith.select %or3A, %slice3A_401, %broadcast_in_dim3A_403 : vector<64x128xi1>, vector<64x128xf32>
        %add3A_405 = arith.addf %while3A_385, %select_n3A_404 : vector<64x128xf32>
        %eq3A_406 = vector.broadcast %convert_element_type3A_391 : f32 to vector<64x128xf32>
        %eq3A_407 = arith.cmpf oeq, %get3A_254, %eq3A_406 : vector<64x128xf32>
        %eq3A_408 = vector.broadcast %convert_element_type3A_391 : f32 to vector<64x128xf32>
        %eq3A_409 = arith.cmpf oeq, %get3A_264, %eq3A_408 : vector<64x128xf32>
        %or3A_410 = arith.ori %eq3A_407, %eq3A_409 : vector<64x128xi1>
        %slice3A_411 = vector.extract_strided_slice %get3A_396 {offsets = [0, 128], sizes = [64, 128], strides = [1, 1]} : vector<64x256xf32> to vector<64x128xf32>
        %jit3A_412 = arith.constant 0.000000e+00 : f32
        %broadcast_in_dim3A_413 = vector.broadcast %jit3A_412 : f32 to vector<64x128xf32>
        %select_n3A_414 = arith.select %or3A_410, %slice3A_411, %broadcast_in_dim3A_413 : vector<64x128xi1>, vector<64x128xf32>
        %add3A_415 = arith.addf %while3A_386, %select_n3A_414 : vector<64x128xf32>
        %mul3A_416 = arith.constant 8 : i32
        %mul3A_417 = arith.muli %while3A_384, %mul3A_416 : i32
        %add3A_418 = arith.constant 1 : i32
        %add3A_419 = arith.addi %mul3A_417, %add3A_418 : i32
        %convert_element_type3A_420 = arith.sitofp %add3A_419 : i32 to f32
        %get3A_421 = arith.index_cast %add3A_419 : i32 to index
        %get3A_422 = arith.constant 0 : index
        %get3A_423 = arith.constant 0 : index
        %get3A_424 = vector.load %arg7[%get3A_421, %get3A_422, %get3A_423] : memref<65x64x256xf32, #tpu.memory_space<vmem>>, vector<1x64x256xf32>
        %get3A_425 = vector.shape_cast %get3A_424 : vector<1x64x256xf32> to vector<64x256xf32>
        %eq3A_426 = vector.broadcast %convert_element_type3A_420 : f32 to vector<64x128xf32>
        %eq3A_427 = arith.cmpf oeq, %get3A_249, %eq3A_426 : vector<64x128xf32>
        %eq3A_428 = vector.broadcast %convert_element_type3A_420 : f32 to vector<64x128xf32>
        %eq3A_429 = arith.cmpf oeq, %get3A_259, %eq3A_428 : vector<64x128xf32>
        %or3A_430 = arith.ori %eq3A_427, %eq3A_429 : vector<64x128xi1>
        %slice3A_431 = vector.extract_strided_slice %get3A_425 {offsets = [0, 0], sizes = [64, 128], strides = [1, 1]} : vector<64x256xf32> to vector<64x128xf32>
        %jit3A_432 = arith.constant 0.000000e+00 : f32
        %broadcast_in_dim3A_433 = vector.broadcast %jit3A_432 : f32 to vector<64x128xf32>
        %select_n3A_434 = arith.select %or3A_430, %slice3A_431, %broadcast_in_dim3A_433 : vector<64x128xi1>, vector<64x128xf32>
        %add3A_435 = arith.addf %add3A_405, %select_n3A_434 : vector<64x128xf32>
        %eq3A_436 = vector.broadcast %convert_element_type3A_420 : f32 to vector<64x128xf32>
        %eq3A_437 = arith.cmpf oeq, %get3A_254, %eq3A_436 : vector<64x128xf32>
        %eq3A_438 = vector.broadcast %convert_element_type3A_420 : f32 to vector<64x128xf32>
        %eq3A_439 = arith.cmpf oeq, %get3A_264, %eq3A_438 : vector<64x128xf32>
        %or3A_440 = arith.ori %eq3A_437, %eq3A_439 : vector<64x128xi1>
        %slice3A_441 = vector.extract_strided_slice %get3A_425 {offsets = [0, 128], sizes = [64, 128], strides = [1, 1]} : vector<64x256xf32> to vector<64x128xf32>
        %jit3A_442 = arith.constant 0.000000e+00 : f32
        %broadcast_in_dim3A_443 = vector.broadcast %jit3A_442 : f32 to vector<64x128xf32>
        %select_n3A_444 = arith.select %or3A_440, %slice3A_441, %broadcast_in_dim3A_443 : vector<64x128xi1>, vector<64x128xf32>
        %add3A_445 = arith.addf %add3A_415, %select_n3A_444 : vector<64x128xf32>
        %mul3A_446 = arith.constant 8 : i32
        %mul3A_447 = arith.muli %while3A_384, %mul3A_446 : i32
        %add3A_448 = arith.constant 2 : i32
        %add3A_449 = arith.addi %mul3A_447, %add3A_448 : i32
        %convert_element_type3A_450 = arith.sitofp %add3A_449 : i32 to f32
        %get3A_451 = arith.index_cast %add3A_449 : i32 to index
        %get3A_452 = arith.constant 0 : index
        %get3A_453 = arith.constant 0 : index
        %get3A_454 = vector.load %arg7[%get3A_451, %get3A_452, %get3A_453] : memref<65x64x256xf32, #tpu.memory_space<vmem>>, vector<1x64x256xf32>
        %get3A_455 = vector.shape_cast %get3A_454 : vector<1x64x256xf32> to vector<64x256xf32>
        %eq3A_456 = vector.broadcast %convert_element_type3A_450 : f32 to vector<64x128xf32>
        %eq3A_457 = arith.cmpf oeq, %get3A_249, %eq3A_456 : vector<64x128xf32>
        %eq3A_458 = vector.broadcast %convert_element_type3A_450 : f32 to vector<64x128xf32>
        %eq3A_459 = arith.cmpf oeq, %get3A_259, %eq3A_458 : vector<64x128xf32>
        %or3A_460 = arith.ori %eq3A_457, %eq3A_459 : vector<64x128xi1>
        %slice3A_461 = vector.extract_strided_slice %get3A_455 {offsets = [0, 0], sizes = [64, 128], strides = [1, 1]} : vector<64x256xf32> to vector<64x128xf32>
        %jit3A_462 = arith.constant 0.000000e+00 : f32
        %broadcast_in_dim3A_463 = vector.broadcast %jit3A_462 : f32 to vector<64x128xf32>
        %select_n3A_464 = arith.select %or3A_460, %slice3A_461, %broadcast_in_dim3A_463 : vector<64x128xi1>, vector<64x128xf32>
        %add3A_465 = arith.addf %add3A_435, %select_n3A_464 : vector<64x128xf32>
        %eq3A_466 = vector.broadcast %convert_element_type3A_450 : f32 to vector<64x128xf32>
        %eq3A_467 = arith.cmpf oeq, %get3A_254, %eq3A_466 : vector<64x128xf32>
        %eq3A_468 = vector.broadcast %convert_element_type3A_450 : f32 to vector<64x128xf32>
        %eq3A_469 = arith.cmpf oeq, %get3A_264, %eq3A_468 : vector<64x128xf32>
        %or3A_470 = arith.ori %eq3A_467, %eq3A_469 : vector<64x128xi1>
        %slice3A_471 = vector.extract_strided_slice %get3A_455 {offsets = [0, 128], sizes = [64, 128], strides = [1, 1]} : vector<64x256xf32> to vector<64x128xf32>
        %jit3A_472 = arith.constant 0.000000e+00 : f32
        %broadcast_in_dim3A_473 = vector.broadcast %jit3A_472 : f32 to vector<64x128xf32>
        %select_n3A_474 = arith.select %or3A_470, %slice3A_471, %broadcast_in_dim3A_473 : vector<64x128xi1>, vector<64x128xf32>
        %add3A_475 = arith.addf %add3A_445, %select_n3A_474 : vector<64x128xf32>
        %mul3A_476 = arith.constant 8 : i32
        %mul3A_477 = arith.muli %while3A_384, %mul3A_476 : i32
        %add3A_478 = arith.constant 3 : i32
        %add3A_479 = arith.addi %mul3A_477, %add3A_478 : i32
        %convert_element_type3A_480 = arith.sitofp %add3A_479 : i32 to f32
        %get3A_481 = arith.index_cast %add3A_479 : i32 to index
        %get3A_482 = arith.constant 0 : index
        %get3A_483 = arith.constant 0 : index
        %get3A_484 = vector.load %arg7[%get3A_481, %get3A_482, %get3A_483] : memref<65x64x256xf32, #tpu.memory_space<vmem>>, vector<1x64x256xf32>
        %get3A_485 = vector.shape_cast %get3A_484 : vector<1x64x256xf32> to vector<64x256xf32>
        %eq3A_486 = vector.broadcast %convert_element_type3A_480 : f32 to vector<64x128xf32>
        %eq3A_487 = arith.cmpf oeq, %get3A_249, %eq3A_486 : vector<64x128xf32>
        %eq3A_488 = vector.broadcast %convert_element_type3A_480 : f32 to vector<64x128xf32>
        %eq3A_489 = arith.cmpf oeq, %get3A_259, %eq3A_488 : vector<64x128xf32>
        %or3A_490 = arith.ori %eq3A_487, %eq3A_489 : vector<64x128xi1>
        %slice3A_491 = vector.extract_strided_slice %get3A_485 {offsets = [0, 0], sizes = [64, 128], strides = [1, 1]} : vector<64x256xf32> to vector<64x128xf32>
        %jit3A_492 = arith.constant 0.000000e+00 : f32
        %broadcast_in_dim3A_493 = vector.broadcast %jit3A_492 : f32 to vector<64x128xf32>
        %select_n3A_494 = arith.select %or3A_490, %slice3A_491, %broadcast_in_dim3A_493 : vector<64x128xi1>, vector<64x128xf32>
        %add3A_495 = arith.addf %add3A_465, %select_n3A_494 : vector<64x128xf32>
        %eq3A_496 = vector.broadcast %convert_element_type3A_480 : f32 to vector<64x128xf32>
        %eq3A_497 = arith.cmpf oeq, %get3A_254, %eq3A_496 : vector<64x128xf32>
        %eq3A_498 = vector.broadcast %convert_element_type3A_480 : f32 to vector<64x128xf32>
        %eq3A_499 = arith.cmpf oeq, %get3A_264, %eq3A_498 : vector<64x128xf32>
        %or3A_500 = arith.ori %eq3A_497, %eq3A_499 : vector<64x128xi1>
        %slice3A_501 = vector.extract_strided_slice %get3A_485 {offsets = [0, 128], sizes = [64, 128], strides = [1, 1]} : vector<64x256xf32> to vector<64x128xf32>
        %jit3A_502 = arith.constant 0.000000e+00 : f32
        %broadcast_in_dim3A_503 = vector.broadcast %jit3A_502 : f32 to vector<64x128xf32>
        %select_n3A_504 = arith.select %or3A_500, %slice3A_501, %broadcast_in_dim3A_503 : vector<64x128xi1>, vector<64x128xf32>
        %add3A_505 = arith.addf %add3A_475, %select_n3A_504 : vector<64x128xf32>
        %mul3A_506 = arith.constant 8 : i32
        %mul3A_507 = arith.muli %while3A_384, %mul3A_506 : i32
        %add3A_508 = arith.constant 4 : i32
        %add3A_509 = arith.addi %mul3A_507, %add3A_508 : i32
        %convert_element_type3A_510 = arith.sitofp %add3A_509 : i32 to f32
        %get3A_511 = arith.index_cast %add3A_509 : i32 to index
        %get3A_512 = arith.constant 0 : index
        %get3A_513 = arith.constant 0 : index
        %get3A_514 = vector.load %arg7[%get3A_511, %get3A_512, %get3A_513] : memref<65x64x256xf32, #tpu.memory_space<vmem>>, vector<1x64x256xf32>
        %get3A_515 = vector.shape_cast %get3A_514 : vector<1x64x256xf32> to vector<64x256xf32>
        %eq3A_516 = vector.broadcast %convert_element_type3A_510 : f32 to vector<64x128xf32>
        %eq3A_517 = arith.cmpf oeq, %get3A_249, %eq3A_516 : vector<64x128xf32>
        %eq3A_518 = vector.broadcast %convert_element_type3A_510 : f32 to vector<64x128xf32>
        %eq3A_519 = arith.cmpf oeq, %get3A_259, %eq3A_518 : vector<64x128xf32>
        %or3A_520 = arith.ori %eq3A_517, %eq3A_519 : vector<64x128xi1>
        %slice3A_521 = vector.extract_strided_slice %get3A_515 {offsets = [0, 0], sizes = [64, 128], strides = [1, 1]} : vector<64x256xf32> to vector<64x128xf32>
        %jit3A_522 = arith.constant 0.000000e+00 : f32
        %broadcast_in_dim3A_523 = vector.broadcast %jit3A_522 : f32 to vector<64x128xf32>
        %select_n3A_524 = arith.select %or3A_520, %slice3A_521, %broadcast_in_dim3A_523 : vector<64x128xi1>, vector<64x128xf32>
        %add3A_525 = arith.addf %add3A_495, %select_n3A_524 : vector<64x128xf32>
        %eq3A_526 = vector.broadcast %convert_element_type3A_510 : f32 to vector<64x128xf32>
        %eq3A_527 = arith.cmpf oeq, %get3A_254, %eq3A_526 : vector<64x128xf32>
        %eq3A_528 = vector.broadcast %convert_element_type3A_510 : f32 to vector<64x128xf32>
        %eq3A_529 = arith.cmpf oeq, %get3A_264, %eq3A_528 : vector<64x128xf32>
        %or3A_530 = arith.ori %eq3A_527, %eq3A_529 : vector<64x128xi1>
        %slice3A_531 = vector.extract_strided_slice %get3A_515 {offsets = [0, 128], sizes = [64, 128], strides = [1, 1]} : vector<64x256xf32> to vector<64x128xf32>
        %jit3A_532 = arith.constant 0.000000e+00 : f32
        %broadcast_in_dim3A_533 = vector.broadcast %jit3A_532 : f32 to vector<64x128xf32>
        %select_n3A_534 = arith.select %or3A_530, %slice3A_531, %broadcast_in_dim3A_533 : vector<64x128xi1>, vector<64x128xf32>
        %add3A_535 = arith.addf %add3A_505, %select_n3A_534 : vector<64x128xf32>
        %mul3A_536 = arith.constant 8 : i32
        %mul3A_537 = arith.muli %while3A_384, %mul3A_536 : i32
        %add3A_538 = arith.constant 5 : i32
        %add3A_539 = arith.addi %mul3A_537, %add3A_538 : i32
        %convert_element_type3A_540 = arith.sitofp %add3A_539 : i32 to f32
        %get3A_541 = arith.index_cast %add3A_539 : i32 to index
        %get3A_542 = arith.constant 0 : index
        %get3A_543 = arith.constant 0 : index
        %get3A_544 = vector.load %arg7[%get3A_541, %get3A_542, %get3A_543] : memref<65x64x256xf32, #tpu.memory_space<vmem>>, vector<1x64x256xf32>
        %get3A_545 = vector.shape_cast %get3A_544 : vector<1x64x256xf32> to vector<64x256xf32>
        %eq3A_546 = vector.broadcast %convert_element_type3A_540 : f32 to vector<64x128xf32>
        %eq3A_547 = arith.cmpf oeq, %get3A_249, %eq3A_546 : vector<64x128xf32>
        %eq3A_548 = vector.broadcast %convert_element_type3A_540 : f32 to vector<64x128xf32>
        %eq3A_549 = arith.cmpf oeq, %get3A_259, %eq3A_548 : vector<64x128xf32>
        %or3A_550 = arith.ori %eq3A_547, %eq3A_549 : vector<64x128xi1>
        %slice3A_551 = vector.extract_strided_slice %get3A_545 {offsets = [0, 0], sizes = [64, 128], strides = [1, 1]} : vector<64x256xf32> to vector<64x128xf32>
        %jit3A_552 = arith.constant 0.000000e+00 : f32
        %broadcast_in_dim3A_553 = vector.broadcast %jit3A_552 : f32 to vector<64x128xf32>
        %select_n3A_554 = arith.select %or3A_550, %slice3A_551, %broadcast_in_dim3A_553 : vector<64x128xi1>, vector<64x128xf32>
        %add3A_555 = arith.addf %add3A_525, %select_n3A_554 : vector<64x128xf32>
        %eq3A_556 = vector.broadcast %convert_element_type3A_540 : f32 to vector<64x128xf32>
        %eq3A_557 = arith.cmpf oeq, %get3A_254, %eq3A_556 : vector<64x128xf32>
        %eq3A_558 = vector.broadcast %convert_element_type3A_540 : f32 to vector<64x128xf32>
        %eq3A_559 = arith.cmpf oeq, %get3A_264, %eq3A_558 : vector<64x128xf32>
        %or3A_560 = arith.ori %eq3A_557, %eq3A_559 : vector<64x128xi1>
        %slice3A_561 = vector.extract_strided_slice %get3A_545 {offsets = [0, 128], sizes = [64, 128], strides = [1, 1]} : vector<64x256xf32> to vector<64x128xf32>
        %jit3A_562 = arith.constant 0.000000e+00 : f32
        %broadcast_in_dim3A_563 = vector.broadcast %jit3A_562 : f32 to vector<64x128xf32>
        %select_n3A_564 = arith.select %or3A_560, %slice3A_561, %broadcast_in_dim3A_563 : vector<64x128xi1>, vector<64x128xf32>
        %add3A_565 = arith.addf %add3A_535, %select_n3A_564 : vector<64x128xf32>
        %mul3A_566 = arith.constant 8 : i32
        %mul3A_567 = arith.muli %while3A_384, %mul3A_566 : i32
        %add3A_568 = arith.constant 6 : i32
        %add3A_569 = arith.addi %mul3A_567, %add3A_568 : i32
        %convert_element_type3A_570 = arith.sitofp %add3A_569 : i32 to f32
        %get3A_571 = arith.index_cast %add3A_569 : i32 to index
        %get3A_572 = arith.constant 0 : index
        %get3A_573 = arith.constant 0 : index
        %get3A_574 = vector.load %arg7[%get3A_571, %get3A_572, %get3A_573] : memref<65x64x256xf32, #tpu.memory_space<vmem>>, vector<1x64x256xf32>
        %get3A_575 = vector.shape_cast %get3A_574 : vector<1x64x256xf32> to vector<64x256xf32>
        %eq3A_576 = vector.broadcast %convert_element_type3A_570 : f32 to vector<64x128xf32>
        %eq3A_577 = arith.cmpf oeq, %get3A_249, %eq3A_576 : vector<64x128xf32>
        %eq3A_578 = vector.broadcast %convert_element_type3A_570 : f32 to vector<64x128xf32>
        %eq3A_579 = arith.cmpf oeq, %get3A_259, %eq3A_578 : vector<64x128xf32>
        %or3A_580 = arith.ori %eq3A_577, %eq3A_579 : vector<64x128xi1>
        %slice3A_581 = vector.extract_strided_slice %get3A_575 {offsets = [0, 0], sizes = [64, 128], strides = [1, 1]} : vector<64x256xf32> to vector<64x128xf32>
        %jit3A_582 = arith.constant 0.000000e+00 : f32
        %broadcast_in_dim3A_583 = vector.broadcast %jit3A_582 : f32 to vector<64x128xf32>
        %select_n3A_584 = arith.select %or3A_580, %slice3A_581, %broadcast_in_dim3A_583 : vector<64x128xi1>, vector<64x128xf32>
        %add3A_585 = arith.addf %add3A_555, %select_n3A_584 : vector<64x128xf32>
        %eq3A_586 = vector.broadcast %convert_element_type3A_570 : f32 to vector<64x128xf32>
        %eq3A_587 = arith.cmpf oeq, %get3A_254, %eq3A_586 : vector<64x128xf32>
        %eq3A_588 = vector.broadcast %convert_element_type3A_570 : f32 to vector<64x128xf32>
        %eq3A_589 = arith.cmpf oeq, %get3A_264, %eq3A_588 : vector<64x128xf32>
        %or3A_590 = arith.ori %eq3A_587, %eq3A_589 : vector<64x128xi1>
        %slice3A_591 = vector.extract_strided_slice %get3A_575 {offsets = [0, 128], sizes = [64, 128], strides = [1, 1]} : vector<64x256xf32> to vector<64x128xf32>
        %jit3A_592 = arith.constant 0.000000e+00 : f32
        %broadcast_in_dim3A_593 = vector.broadcast %jit3A_592 : f32 to vector<64x128xf32>
        %select_n3A_594 = arith.select %or3A_590, %slice3A_591, %broadcast_in_dim3A_593 : vector<64x128xi1>, vector<64x128xf32>
        %add3A_595 = arith.addf %add3A_565, %select_n3A_594 : vector<64x128xf32>
        %mul3A_596 = arith.constant 8 : i32
        %mul3A_597 = arith.muli %while3A_384, %mul3A_596 : i32
        %add3A_598 = arith.constant 7 : i32
        %add3A_599 = arith.addi %mul3A_597, %add3A_598 : i32
        %convert_element_type3A_600 = arith.sitofp %add3A_599 : i32 to f32
        %get3A_601 = arith.index_cast %add3A_599 : i32 to index
        %get3A_602 = arith.constant 0 : index
        %get3A_603 = arith.constant 0 : index
        %get3A_604 = vector.load %arg7[%get3A_601, %get3A_602, %get3A_603] : memref<65x64x256xf32, #tpu.memory_space<vmem>>, vector<1x64x256xf32>
        %get3A_605 = vector.shape_cast %get3A_604 : vector<1x64x256xf32> to vector<64x256xf32>
        %eq3A_606 = vector.broadcast %convert_element_type3A_600 : f32 to vector<64x128xf32>
        %eq3A_607 = arith.cmpf oeq, %get3A_249, %eq3A_606 : vector<64x128xf32>
        %eq3A_608 = vector.broadcast %convert_element_type3A_600 : f32 to vector<64x128xf32>
        %eq3A_609 = arith.cmpf oeq, %get3A_259, %eq3A_608 : vector<64x128xf32>
        %or3A_610 = arith.ori %eq3A_607, %eq3A_609 : vector<64x128xi1>
        %slice3A_611 = vector.extract_strided_slice %get3A_605 {offsets = [0, 0], sizes = [64, 128], strides = [1, 1]} : vector<64x256xf32> to vector<64x128xf32>
        %jit3A_612 = arith.constant 0.000000e+00 : f32
        %broadcast_in_dim3A_613 = vector.broadcast %jit3A_612 : f32 to vector<64x128xf32>
        %select_n3A_614 = arith.select %or3A_610, %slice3A_611, %broadcast_in_dim3A_613 : vector<64x128xi1>, vector<64x128xf32>
        %add3A_615 = arith.addf %add3A_585, %select_n3A_614 : vector<64x128xf32>
        %eq3A_616 = vector.broadcast %convert_element_type3A_600 : f32 to vector<64x128xf32>
        %eq3A_617 = arith.cmpf oeq, %get3A_254, %eq3A_616 : vector<64x128xf32>
        %eq3A_618 = vector.broadcast %convert_element_type3A_600 : f32 to vector<64x128xf32>
        %eq3A_619 = arith.cmpf oeq, %get3A_264, %eq3A_618 : vector<64x128xf32>
        %or3A_620 = arith.ori %eq3A_617, %eq3A_619 : vector<64x128xi1>
        %slice3A_621 = vector.extract_strided_slice %get3A_605 {offsets = [0, 128], sizes = [64, 128], strides = [1, 1]} : vector<64x256xf32> to vector<64x128xf32>
        %jit3A_622 = arith.constant 0.000000e+00 : f32
        %broadcast_in_dim3A_623 = vector.broadcast %jit3A_622 : f32 to vector<64x128xf32>
        %select_n3A_624 = arith.select %or3A_620, %slice3A_621, %broadcast_in_dim3A_623 : vector<64x128xi1>, vector<64x128xf32>
        %add3A_625 = arith.addf %add3A_595, %select_n3A_624 : vector<64x128xf32>
        scf.yield %add3A_615, %add3A_625 : vector<64x128xf32>, vector<64x128xf32>
      }
      %concatenate3A_302 = tpu.concatenate %while3A_301#0, %while3A_301#1 in 1 : vector<64x128xf32>, vector<64x128xf32> -> vector<64x256xf32>
      %get3A_303 = arith.constant 1 : index
      %get3A_304 = arith.constant 0 : index
      %get3A_305 = arith.constant 512 : index
      %get3A_306 = vector.load %arg8[%get3A_303, %get3A_304, %get3A_305] : memref<2x64x768xf32, #tpu.memory_space<vmem>>, vector<1x64x256xf32>
      %get3A_307 = vector.shape_cast %get3A_306 : vector<1x64x256xf32> to vector<64x256xf32>
      %mul3A_308 = arith.mulf %concatenate3A_302, %get3A_307 : vector<64x256xf32>
      %mul3A_309 = arith.constant 64 : i32
      %mul3A_310 = arith.muli %add3A_244, %mul3A_309 : i32
      %get3A_311 = arith.index_cast %mul3A_310 : i32 to index
      %get3A_312 = arith.constant 0 : index
      %get3A_313 = vector.load %arg0[%get3A_311, %get3A_312] : memref<4096x256xf32, #tpu.memory_space<vmem>>, vector<64x256xf32>
      %dot_general3A_314 = arith.constant dense<0.000000e+00> : vector<64x256xf32>
      %dot_general3A_315 = tpu.matmul %mul3A_308, %get3A_31, %dot_general3A_314 {dimension_numbers = #tpu.dot_dimension_numbers<[1], [0], [0], [1], [0, 0, 1, 1], [], []>, transpose_lhs_hint = false} : vector<64x256xf32>, vector<256x256xf32>, vector<64x256xf32> -> vector<64x256xf32>
      %add3A_316 = arith.addf %get3A_313, %dot_general3A_315 : vector<64x256xf32>
      %lt3A_317 = vector.broadcast %add3A_244 : i32 to vector<64x1xi32>
      %lt3A_318 = arith.cmpi slt, %lt3A_317, %max3A_28 : vector<64x1xi32>
      %add3A_319 = vector.broadcast %dot_general3A_15 : vector<1x256xf32> to vector<64x256xf32>
      %add3A_320 = arith.addf %add3A_316, %add3A_319 : vector<64x256xf32>
      %tanh3A_321 = math.tanh %add3A_320 : vector<64x256xf32>
      %jit3A_322 = arith.constant 0.000000e+00 : f32
      %broadcast_in_dim3A_323 = vector.shape_cast %lt3A_318 : vector<64x1xi1> to vector<64x1xi1>
      %broadcast_in_dim3A_324 = vector.broadcast %broadcast_in_dim3A_323 : vector<64x1xi1> to vector<64x256xi1>
      %broadcast_in_dim3A_325 = vector.broadcast %jit3A_322 : f32 to vector<64x256xf32>
      %select_n3A_326 = arith.select %broadcast_in_dim3A_324, %tanh3A_321, %broadcast_in_dim3A_325 : vector<64x256xi1>, vector<64x256xf32>
      %add3A_327 = arith.constant 1 : i32
      %add3A_328 = arith.addi %add3A_244, %add3A_327 : i32
      %swap3A_329 = arith.index_cast %add3A_328 : i32 to index
      %swap3A_330 = arith.constant 0 : index
      %swap3A_331 = arith.constant 0 : index
      %swap3A_332 = vector.load %arg7[%swap3A_329, %swap3A_330, %swap3A_331] : memref<65x64x256xf32, #tpu.memory_space<vmem>>, vector<1x64x256xf32>
      %swap3A_333 = vector.shape_cast %swap3A_332 : vector<1x64x256xf32> to vector<64x256xf32>
      %swap3A_334 = vector.shape_cast %select_n3A_326 : vector<64x256xf32> to vector<1x64x256xf32>
      tpu.vector_store %arg7[%swap3A_329, %swap3A_330, %swap3A_331], %swap3A_334 {strides = array<i32>} : memref<65x64x256xf32, #tpu.memory_space<vmem>>, vector<1x64x256xf32>,
      %add3A_335 = arith.constant 1 : i32
      %add3A_336 = arith.addi %add3A_244, %add3A_335 : i32
      %min3A_337 = arith.constant 63 : i32
      %min3A_338 = arith.minsi %add3A_336, %min3A_337 : i32
      %add3A_339 = arith.constant 1 : i32
      %add3A_340 = arith.addi %min3A_338, %add3A_339 : i32
      %convert_element_type3A_341 = arith.sitofp %add3A_340 : i32 to f32
      %get3A_342 = arith.index_cast %min3A_338 : i32 to index
      %get3A_343 = arith.constant 0 : index
      %get3A_344 = arith.constant 0 : index
      %get3A_345 = vector.load %arg9[%get3A_342, %get3A_343, %get3A_344] : memref<64x64x2xi32, #tpu.memory_space<vmem>>, vector<1x64x2xi32>
      %get3A_346 = vector.shape_cast %get3A_345 : vector<1x64x2xi32> to vector<64x2xi32>
      %convert_element_type3A_347 = arith.sitofp %get3A_346 : vector<64x2xi32> to vector<64x2xf32>
      %div3A_348 = vector.broadcast %convert_element_type3A_341 : f32 to vector<64x2xf32>
      %div3A_349 = arith.divf %convert_element_type3A_347, %div3A_348 : vector<64x2xf32>
      %add3A_350 = arith.constant 1.000000e-03 : f32
      %add3A_351 = vector.broadcast %add3A_350 : f32 to vector<64x2xf32>
      %add3A_352 = arith.addf %div3A_349, %add3A_351 : vector<64x2xf32>
      %floor3A_353 = math.floor %add3A_352 : vector<64x2xf32>
      %mul3A_354 = vector.broadcast %convert_element_type3A_341 : f32 to vector<64x2xf32>
      %mul3A_355 = arith.mulf %mul3A_354, %floor3A_353 : vector<64x2xf32>
      %sub3A_356 = arith.subf %convert_element_type3A_347, %mul3A_355 : vector<64x2xf32>
      %slice3A_357 = vector.extract_strided_slice %sub3A_356 {offsets = [0, 0], sizes = [64, 1], strides = [1, 1]} : vector<64x2xf32> to vector<64x1xf32>
      %slice3A_358 = vector.extract_strided_slice %sub3A_356 {offsets = [0, 1], sizes = [64, 1], strides = [1, 1]} : vector<64x2xf32> to vector<64x1xf32>
      %eq3A_359 = arith.cmpf oeq, %slice3A_357, %slice3A_358 : vector<64x1xf32>
      %jit3A_360 = arith.constant -1.000000e+00 : f32
      %broadcast_in_dim3A_361 = vector.broadcast %jit3A_360 : f32 to vector<64x1xf32>
      %select_n3A_362 = arith.select %eq3A_359, %broadcast_in_dim3A_361, %slice3A_358 : vector<64x1xi1>, vector<64x1xf32>
      %jit3A_363 = arith.constant 2.000000e+00 : f32
      %jit3A_364 = arith.constant 1.000000e+00 : f32
      %broadcast_in_dim3A_365 = vector.broadcast %jit3A_363 : f32 to vector<64x1xf32>
      %broadcast_in_dim3A_366 = vector.broadcast %jit3A_364 : f32 to vector<64x1xf32>
      %select_n3A_367 = arith.select %eq3A_359, %broadcast_in_dim3A_365, %broadcast_in_dim3A_366 : vector<64x1xi1>, vector<64x1xf32>
      %concatenate3A_368 = tpu.concatenate %slice3A_357, %select_n3A_362, %select_n3A_367 in 1 : vector<64x1xf32>, vector<64x1xf32>, vector<64x1xf32> -> vector<64x3xf32>
      %dot_general3A_369 = arith.constant dense<0.000000e+00> : vector<64x768xf32>
      %dot_general3A_370 = tpu.matmul %concatenate3A_368, %convert_element_type3A_57, %dot_general3A_369 {dimension_numbers = #tpu.dot_dimension_numbers<[1], [0], [0], [1], [0, 0, 1, 1], [], []>, transpose_lhs_hint = false} : vector<64x3xf32>, vector<3x768xf32>, vector<64x768xf32> -> vector<64x768xf32>
      %swap3A_371 = arith.constant 0 : index
      %swap3A_372 = arith.constant 0 : index
      %swap3A_373 = arith.constant 0 : index
      %swap3A_374 = vector.load %arg8[%swap3A_371, %swap3A_372, %swap3A_373] : memref<2x64x768xf32, #tpu.memory_space<vmem>>, vector<1x64x768xf32>
      %swap3A_375 = vector.shape_cast %swap3A_374 : vector<1x64x768xf32> to vector<64x768xf32>
      %swap3A_376 = vector.shape_cast %dot_general3A_370 : vector<64x768xf32> to vector<1x64x768xf32>
      tpu.vector_store %arg8[%swap3A_371, %swap3A_372, %swap3A_373], %swap3A_376 {strides = array<i32>} : memref<2x64x768xf32, #tpu.memory_space<vmem>>, vector<1x64x768xf32>,
      %add3A_377 = arith.constant 1 : i32
      %add3A_378 = arith.addi %add3A_244, %add3A_377 : i32
      %eq3A_379 = vector.broadcast %add3A_378 : i32 to vector<64x1xi32>
      %eq3A_380 = arith.cmpi eq, %max3A_28, %eq3A_379 : vector<64x1xi32>
      %broadcast_in_dim3A_381 = vector.shape_cast %eq3A_380 : vector<64x1xi1> to vector<64x1xi1>
      %broadcast_in_dim3A_382 = vector.broadcast %broadcast_in_dim3A_381 : vector<64x1xi1> to vector<64x256xi1>
      %select_n3A_383 = arith.select %broadcast_in_dim3A_382, %select_n3A_326, %select_n3A_240 : vector<64x256xi1>, vector<64x256xf32>
      scf.yield %select_n3A_383 : vector<64x256xf32>
    }
    %scan3A_98 = arith.constant 32 : i32
    %swap3A_99 = arith.constant 0 : index
    %swap3A_100 = arith.constant 0 : index
    %swap3A_101 = vector.load %arg6[%swap3A_99, %swap3A_100] : memref<64x256xf32, #tpu.memory_space<vmem>>, vector<64x256xf32>
    tpu.vector_store %arg6[%swap3A_99, %swap3A_100], %scan3A_97 {strides = array<i32>} : memref<64x256xf32, #tpu.memory_space<vmem>>, vector<64x256xf32>,
    return
  }
}

</mosaic_0001>

<sc_bundles>
// kernel: kernel.4.cloned.1.call-start
scs
__scs_entry_jumppad:
0x0: {  	(pc) =	sbr.rel $0x88, $3  }
0x1: {  	(tag) =	ssettag $0x0;
	lr =	simm.s32 $0x1  }
0x2: {  	[smem:$0x3F9A] =	sst lr;
	_ =	strace $0xD0000000  }
0x3: {  	_ = 	snop  }
0x4: {  	_ = 	snop  }
0x5: {  	_ = 	snop  }
0x6: {  	_ = 	snop  }
0x7: {  	_ = 	snop  }
__scs_overlays_trampoline_lowered:
0x8: {  	[smem:$0x3FA9] =	sst s0  }
0x9: {  	[smem:$0x3FAA] =	sst s1  }
0xa: {  	[smem:$0x3FAB] =	sst s2  }
0xb: {  	[smem:$0x3FAC] =	sst s3  }
0xc: {  	[smem:$0x3FAD] =	sst s4  }
0xd: {  	[smem:$0x3FAE] =	sst s5  }
0xe: {  	[smem:$0x3FAF] =	sst s6  }
0xf: {  	[smem:$0x3FB0] =	sst s7  }
0x10: {  	[smem:$0x3FB1] =	sst s8  }
0x11: {  	[smem:$0x3FB2] =	sst s9;
	s0 =	simm.s32 @!p0 $0x0  }
0x12: {  	s1 =	sld [smem:$0x3F98];
	s0 =	simm.s32 @p0 $0x1  }
0x13: {  	[smem:$0x3FB3] =	sst s0;
	s0 =	simm.s32 @!p1 $0x0  }
0x14: {  	s2 =	sld [smem:$0x3F97];
	s0 =	simm.s32 @p1 $0x1  }
0x15: {  	[smem:$0x3FB4] =	sst s0;
	s0 =	simm.s32 @!p2 $0x0  }
0x16: {  	s3 =	sld [smem:$0x3FDB];
	s0 =	simm.s32 @p2 $0x1  }
0x17: {  	s4 =	simm.s32 $0x1BF5;
	[smem:$0x3FB6] =	sst s0  }
0x18: {  	s0 =	sld [smem:$0x3F99];
	_ =	swait.ge [sflag:s4], $0x0  }
0x19: {  	s7 =	sld [smem:$0x3F9A]  }
0x1a: {  	s8 =	sadd.s32 $0xFFFFE003, lr  }
0x1b: {  	s9 =	sadd.s32 $0xFFFFFEF7, lr;
	s5 =	simm.s32 $0xFFFFFFFF;
	p2 =	slt.u32 s8, $0xFFFFF086  }
0x1c: {  	p1 =	slt.u32 s9, $0xF7A;
	s5 =	simm.s32 @!p2 $0x0  }
0x1d: {  	s5 =	simm.s32 @p1 $0x1;
	p0 =	seq.s32 s7, s2  }
0x1e: {  	s7 =	smul.u32 @!p0 $0xF7A, s2;
	p2 =	seq.s32 @!p0 s5, $0x0  }
0x1f: {  	s9 =	smul.u32 $0xF7A, s1;
	s8 =	simm.s32 @!p0 $0x1BF5;
	p2 =	por !p2, p0  }
0x20: {  	[sflag:s8] =	ssyncset.s32 @!p0 $0xFFFFF086;
	s6 =	sadd.s32 @!p0 s3, s7;
	s7 =	simm.s32 @!p0 $0x108  }
0x21: {  	s3 =	sadd.s32 s3, s9;
	s6 =	sadd.s32 @!p0 $0x88, s6;
	s7 =	simm.s32 @p2 $0x1082  }
0x22: {  	[simem:s7], [sflag:s8] =	dma.local @!p0 [hbm:s6], $0xF7A  }
0x23: {  	s9 =	sor.u32 $0xD0000000, s2;
	s6 =	simm.s32 $0x108;
	_ =	swait.ge @!p0 [sflag:s8], $0x0  }
0x24: {  	s3 =	sadd.s32 $0x88, s3;
	s6 =	simm.s32 @!p1 $0x1082;
	[sflag:s4] =	ssyncset.s32 $0xFFFFF086  }
0x25: {  	[simem:s6], [sflag:s4] =	dma.local [hbm:s3], $0xF7A  }
0x26: {  	[smem:$0x3F9A] =	sst s1;
	(tag) =	ssettag s2;
	_ =	strace s9  }
0x27: {  	s1 =	sld [smem:$0x3FAA]  }
0x28: {  	s2 =	sld [smem:$0x3FAB]  }
0x29: {  	s4 =	sld [smem:$0x3FAD]  }
0x2a: {  	p0 =	seq.s32 s5, $0x0;
	s5 =	sld [smem:$0x3FAE]  }
0x2b: {  	s6 =	sld [smem:$0x3FAF]  }
0x2c: {  	s7 =	sld [smem:$0x3FB0]  }
0x2d: {  	s3 =	simm.s32 $0x108;
	s8 =	sld [smem:$0x3FB1]  }
0x2e: {  	s3 =	simm.s32 @!p0 $0x1082;
	s9 =	sld [smem:$0x3FB2]  }
0x2f: {  	lr =	sadd.s32 s0, s3;
	s0 =	sld [smem:$0x3FA9]  }
0x30: {  	s3 =	sld [smem:$0x3FAC]  }
0x31: {  	[smem:$0x3FB5] =	sst s10  }
0x32: {  	s10 =	sld [smem:$0x3FB3];
	_ =	sdelay $0x3  }
0x33: {  	p0 =	seq.s32 s10, $0x1;
	s10 =	sld [smem:$0x3FB5];
	_ =	sdelay $0x3  }
0x34: {  	[smem:$0x3FB5] =	sst s10  }
0x35: {  	s10 =	sld [smem:$0x3FB4];
	_ =	sdelay $0x3  }
0x36: {  	p1 =	seq.s32 s10, $0x1;
	s10 =	sld [smem:$0x3FB5];
	_ =	sdelay $0x3  }
0x37: {  	[smem:$0x3FB5] =	sst s10  }
0x38: {  	s10 =	sld [smem:$0x3FB6]  }
0x39: {  	_ = 	snop;
	(pc) =	sbr.ind lr, $3  }
0x3a: {  	_ = 	snop  }
0x3b: {  	_ = 	snop  }
0x3c: {  	p2 =	seq.s32 s10, $0x1;
	s10 =	sld [smem:$0x3FB5]  }
0x3d: {  	_ =	shalt  }
0x3e: {  	_ =	shalt  }
0x3f: {  	_ =	shalt  }
0x40: {  	_ =	shalt  }
0x41: {  	_ =	shalt  }
0x42: {  	_ =	shalt  }
0x43: {  	_ =	shalt  }
0x44: {  	_ =	shalt  }
0x45: {  	_ =	shalt  }
0x46: {  	_ =	shalt  }
0x47: {  	_ =	shalt  }
0x48: {  	_ =	shalt  }
0x49: {  	_ =	shalt  }
0x4a: {  	_ =	shalt  }
0x4b: {  	_ =	shalt  }
0x4c: {  	_ =	shalt  }
0x4d: {  	_ =	shalt  }
0x4e: {  	_ =	shalt  }
0x4f: {  	_ =	shalt  }
0x50: {  	_ =	shalt  }
0x51: {  	_ =	shalt  }
0x52: {  	_ =	shalt  }
0x53: {  	_ =	shalt  }
0x54: {  	_ =	shalt  }
0x55: {  	_ =	shalt  }
0x56: {  	_ =	shalt  }
0x57: {  	_ =	shalt  }
0x58: {  	_ =	shalt  }
0x59: {  	_ =	shalt  }
0x5a: {  	_ =	shalt  }
0x5b: {  	_ =	shalt  }
0x5c: {  	_ =	shalt  }
0x5d: {  	_ =	shalt  }
0x5e: {  	_ =	shalt  }
0x5f: {  	_ =	shalt  }
0x60: {  	_ =	shalt  }
0x61: {  	_ =	shalt  }
0x62: {  	_ =	shalt  }
0x63: {  	_ =	shalt  }
0x64: {  	_ =	shalt  }
0x65: {  	_ =	shalt  }
0x66: {  	_ =	shalt  }
0x67: {  	_ =	shalt  }
0x68: {  	_ =	shalt  }
0x69: {  	_ =	shalt  }
0x6a: {  	_ =	shalt  }
0x6b: {  	_ =	shalt  }
0x6c: {  	_ =	shalt  }
0x6d: {  	_ =	shalt  }
0x6e: {  	_ =	shalt  }
0x6f: {  	_ =	shalt  }
0x70: {  	_ =	shalt  }
0x71: {  	_ =	shalt  }
0x72: {  	_ =	shalt  }
0x73: {  	_ =	shalt  }
0x74: {  	_ =	shalt  }
0x75: {  	_ =	shalt  }
0x76: {  	_ =	shalt  }
0x77: {  	_ =	shalt  }
0x78: {  	_ =	shalt  }
0x79: {  	_ =	shalt  }
0x7a: {  	_ =	shalt  }
0x7b: {  	_ =	shalt  }
0x7c: {  	_ =	shalt  }
0x7d: {  	_ =	shalt  }
0x7e: {  	_ =	shalt  }
0x7f: {  	_ =	shalt  }
0x80: {  	_ =	shalt  }
0x81: {  	_ =	shalt  }
0x82: {  	_ =	shalt  }
0x83: {  	_ =	shalt  }
0x84: {  	_ =	shalt  }
0x85: {  	_ =	shalt  }
0x86: {  	_ =	shalt  }
0x87: {  	_ =	shalt  }
.Lfunc_end0:
.L_simem_size_0:
called_computation_lowered:
.L_overlay_start_0:
0x88: {  	s2 =	sld [smem:$0x3FD9]  }
0x89: {  	s3 =	sld [smem:$0x3FFE];
	_ =	sdelay $0x1  }
0x8a: {  	s1 =	srdreg.scid  }
0x8b: {  	s0 =	sand.u32 $0x1, s1  }
0x8c: {  	s17 =	sshll.u32 s0, $0xA;
	s2 =	sadd.s32 s3, s2  }
0x8d: {  	s2 =	sadd.s32 s2, s17  }
0x8e: {  	[smem:$0x3FC1] =	sst s2  }
0x8f: {  	_ = 	snop  }
0x90: {  	s2 =	sld [smem:$0x3FC5]  }
0x91: {  	s18 =	sld [smem:$0x3FD0];
	(tm) =	ssettm $0x1  }
0x92: {  	s4 =	sld [smem:$0x3FFB];
	_ =	sdelay $0x3  }
0x93: {  	_ =	strace s4  }
0x94: {  	s4 =	sld [smem:$0x3FFC];
	_ =	sdelay $0x3  }
0x95: {  	_ =	strace s4  }
0x96: {  	s4 =	sld [smem:$0x3FFD];
	_ =	sdelay $0x3  }
0x97: {  	_ =	strace s4  }
0x98: {  	_ =	strace $0x8FFFFFFF  }
0x99: {  	s19 =	sld [smem:$0x3FDB];
	_ =	sdelay $0x1  }
0x9a: {  	s5 =	simm.s32 $_scs_section_size  }
0x9b: {  	s6 =	simm.s32 $_size__tile_overlayer_lowered;
	s7 =	simm.s32 $_tile_overlayer_lowered  }
0x9c: {  	s22 =	simm.s32 $0x1BFF;
	s21 =	sshll.u32 s7, $0x1;
	s4 =	sadd.s32 s5, s19  }
0x9d: {  	s8 =	simm.s32 $0x0;
	s20 =	sshll.u32 s6, $0x1;
	s6 =	sadd.s32 s21, s4  }
0x9e: {  	[timem:s8], [sflag:s22] =	dma.local [hbm:s6], s20  }
0x9f: {  	_ =	swait.ge [sflag:s22], s20  }
0xa0: {  	s5 =	ssub.s32 $0x0, s20;
	[sflag:s22] =	ssyncset.done $0x0  }
0xa1: {  	[sflag:s22] =	ssyncadd.s32 s5;
	_ =	sdelay $0x1  }
0xa2: {  	s23 =	simm.s32 $0x1B8B  }
0xa3: {  	_ =	swait.ge [sflag:s23], $0x1  }
0xa4: {  	[sflag:s23] =	ssyncset.done $0x0  }
0xa5: {  	s25 =	simm.s32 $0x1B8E;
	s24 =	sld [smem:$0x3FFE];
	[sflag:s23] =	ssyncadd.s32 $0xFFFFFFFF  }
0xa6: {  	s26 =	simm.s32 $execute0_lowered;
	[smem:$0x3FD2] =	sst s25  }
0xa7: {  	s6 =	sshll.u32 s26, $0x1;
	_ =	strace $0x80000046;
	[dreg:$0x1] =	wrdreg $0xFFFFFFFF  }
0xa8: {  	s28 =	simm.s32 $_size_execute0_lowered;
	s4 =	sadd.s32 s4, s6;
	[dreg:$0x0] =	wrdreg $0x0  }
0xa9: {  	s6 =	sshll.u32 s28, $0x1;
	[dreg:$0x2] =	wrdreg s4  }
0xaa: {  	[dreg:$0x3] =	wrdreg s6  }
0xab: {  	[dreg:$0x4] =	wrdreg $0xC0  }
0xac: {  	_ =	task [dreg:s8], $0x5FFFF  }
0xad: {  	[dreg:$0x1] =	wrdreg $0xFFFFFFFF  }
0xae: {  	[dreg:$0x0] =	wrdreg $0x60  }
0xaf: {  	[dreg:$0x2] =	wrdreg s2  }
0xb0: {  	[dreg:$0x3] =	wrdreg s18  }
0xb1: {  	[dreg:$0x4] =	wrdreg s24  }
0xb2: {  	[dreg:$0x5] =	wrdreg $0x9  }
0xb3: {  	_ =	task.clear_ibuf [dreg:s8], $0x6FFFF;
	_ =	strace $0x90000046  }
0xb4: {  	s29 =	simm.s32 $0x9;
	_ =	strace $0x80000048  }
0xb5: {  	_ =	swait.ge [sflag:s29], $0x1  }
0xb6: {  	[sflag:s29] =	ssyncadd.s32 $0xFFFFFFFF  }
0xb7: {  	_ =	strace $0x90000048  }
0xb8: {  	_ =	sfence  }
0xb9: {  	s30 =	sld [smem:$0x0];
	_ =	sdelay $0x2  }
0xba: {  	s31 =	sshll.u32 s1, $0xD;
	s1 =	sshrl.u32 s1, $0x2  }
0xbb: {  	s3 =	sand.u32 $0x4000, s31;
	s1 =	sadd.s32 s1, s30  }
0xbc: {  	s0 =	sor.u32 s3, s0;
	s1 =	sshll.u32 s1, $0x11  }
0xbd: {  	s0 =	sor.u32 s1, s0  }
0xbe: {  	s0 =	sadd.s32 $0x8F2B, s0  }
0xbf: {  	[sflag:s0] =	ssyncadd.remote.s32 $0x1  }
0xc0: {  	_ =	sfence.sel $0xFFFF  }
0xc1: {  	[dreg:$0x0] =	wrdreg $0xFFFFFFFF;
	(pc) =	sbr.abs _section_cstart, $3  }
0xc2: {  	[dreg:$0x1] =	wrdreg $0xFFFFFFFF  }
0xc3: {  	_ =	task.clear_ibuf [dreg:s8], $0x2FFFF;
	_ =	strace $0x9FFFFFFF  }
0xc4: {  	(tm) =	ssettm $0x7FFFFFFF  }
0xc5: {  	_ =	shalt  }
tec
execute0_lowered:
.L_overlay_start_1:
0x0: {  	(tag) =	ssettag $0x1  }
0x1: {  	s1 =	rddreg [dreg:$0x0]  }
0x2: {  	s5 =	rddreg [dreg:$0x1];
	s2 =	srdreg.scid  }
0x3: {  	s0 =	stileid.u32;
	s4 =	rddreg [dreg:$0x2]  }
0x4: {  	s9 =	simm.s32 $0xA80;
	s10 =	simm.s32 $0x1280;
	s11 =	simm.s32 $0x1A80  }
0x5: {  	v10 =	vlaneseq.u32;
	s12 =	simm.s32 $0x1;
	s14 =	simm.s32 $0x2A80;
	s15 =	simm.s32 $0x3280  }
0x6: {  	vm0 =	vmmov $0xffff;
	s16 =	simm.s32 $0x3A80;
	s17 =	simm.s32 $0x2;
	s18 =	simm.s32 $0x3;
	v7 =	vmul.u32 $0x40, v10;
	v9 =	vshrl.u32 v10, $0x3  }
0x7: {  	s6 =	sand.u32 $0x1, s2;
	s3 =	sshll.u32 s0, $0x1;
	s2 =	rddreg [dreg:$0x3];
	v8 =	vand.u32 $0x7, v10;
	v10 =	vor.u32 $0x8, v10;
	v9 =	vmul.u32 $0x8, v9  }
0x8: {  	s4 =	sadd.s32 $0x1000, s4;
	s7 =	sor.u32 s6, s3;
	s3 =	simm.s32 $0x0;
	v1 =	vor.u32 $0x400, v7;
	v2 =	vor.u32 $0x800, v7;
	v3 =	vor.u32 $0xC00, v7  }
0x9: {  	s6 =	ssub.s32 $0x2, s6;
	s13 =	sshll.u32 s7, $0x1;
	[smem:$0x7FF] =	sst s3;
	v4 =	vor.u32 $0x1, v7;
	v5 =	vor.u32 $0x401, v7;
	v6 =	vor.u32 $0x801, v7  }
0xa: {  	s8 =	sshrl.u32 s6, $0x1;
	s7 =	sshll.u32 s7, $0x4;
	v0 =	vor.u32 s13, v7;
	_ =	strace $0x80000047;
	v1 =	vor.u32 s13, v1;
	v2 =	vor.u32 s13, v2  }
0xb: {  	s6 =	ssub.s32 s6, s8;
	s5 =	sadd.s32 s5, s7;
	v3 =	vor.u32 s13, v3;
	v4 =	vor.u32 s13, v4;
	s7 =	simm.s32 $0x4;
	v7 =	vor.u32 $0xC01, v7  }
0xc: {  	s8 =	simm.s32 $0x280;
	v5 =	vor.u32 s13, v5;
	v6 =	vor.u32 s13, v6;
	s6 =	smax.u32 s6, $0x1;
	v7 =	vor.u32 s13, v7;
	s13 =	simm.s32 $0x2280  }
.LBB2_1:
0xd: {  	[tilespmem:s3], [sflag:$0x4] =	stream.linear.gather [hbm4b:s5+s3], $0x80, $0x38;
	[tilespmem:$0x4280] =	vst v63  }
0xe: {  	_ =	swait.ge [sflag:s7], $0x80  }
0xf: {  	[sflag:s7] =	ssyncset.done $0x0  }
0x10: {  	[sflag:s7] =	ssyncadd.s32 $0xFFFFFF80  }
0x11: {  	v11 =	vld [tilespmem:$0x0];
	_ =	sdelay $0x4  }
0x12: {  	v12 =	vshll.u32 v11, $0x1  }
0x13: {  	v11 =	vand.u32 $0x7, v11;
	v12 =	vand.u32 $0xFFFFFFF0, v12  }
0x14: {  	[tilespmem:$0x80] =	vst v0;
	v11 =	vor.u32 v11, v12  }
0x15: {  	[tilespmem:$0x90] =	vst v1;
	v12 =	vperm.xlane v11, v8  }
0x16: {  	[tilespmem:$0x100] =	vst v2  }
0x17: {  	[tilespmem:$0x110] =	vst v3;
	v11 =	vperm.xlane v11, v10;
	v12 =	vadd.s32 v9, v12  }
0x18: {  	[tilespmem:$0x180] =	vst v4  }
0x19: {  	[tilespmem:$0x190] =	vst v5;
	v11 =	vadd.s32 v9, v11  }
0x1a: {  	[tilespmem:$0x200] =	vst v6  }
0x1b: {  	[tilespmem:$0x210] =	vst v7  }
0x1c: {  	[tilespmem:s8], [sflag:$0x1] =	stream.indirect_vreg.gather [hbm4b:s1+s3], $0x80, v12, vm0, $0xb8;
	[tilespmem:$0x4280] =	vst v63  }
0x1d: {  	_ = 	snop  }
0x1e: {  	[tilespmem:s9], [sflag:$0x1] =	stream.indirect_vreg.gather [hbm4b:s1+s3], $0x80, v11, vm0, $0xb8;
	[tilespmem:$0x4280] =	vst v63  }
0x1f: {  	v11 =	vld [tilespmem:$0x10];
	_ =	sdelay $0x4  }
0x20: {  	v49 =	vshll.u32 v11, $0x1  }
0x21: {  	v11 =	vand.u32 $0x7, v11;
	v12 =	vand.u32 $0xFFFFFFF0, v49  }
0x22: {  	v11 =	vor.u32 v11, v12  }
0x23: {  	v12 =	vperm.xlane v11, v8;
	_ =	sdelay $0x1  }
0x24: {  	v11 =	vperm.xlane v11, v10;
	v12 =	vadd.s32 v9, v12;
	_ =	sdelay $0x1  }
0x25: {  	v11 =	vadd.s32 v9, v11;
	_ =	sdelay $0x2  }
0x26: {  	[tilespmem:s10], [sflag:$0x1] =	stream.indirect_vreg.gather [hbm4b:s1+s3], $0x80, v12, vm0, $0xb8;
	[tilespmem:$0x4280] =	vst v63  }
0x27: {  	_ = 	snop  }
0x28: {  	[tilespmem:s11], [sflag:$0x1] =	stream.indirect_vreg.gather [hbm4b:s1+s3], $0x80, v11, vm0, $0xb8;
	[tilespmem:$0x4280] =	vst v63  }
0x29: {  	_ =	swait.ge [sflag:s12], $0x2000  }
0x2a: {  	[sflag:s12] =	ssyncset.done $0x0  }
0x2b: {  	[sflag:s12] =	ssyncadd.s32 $0xFFFFE000  }
0x2c: {  	v11 =	vld [tilespmem:$0x80];
	_ =	sdelay $0x4  }
0x2d: {  	v50 =	vshll.u32 v11, $0x1  }
0x2e: {  	v11 =	vand.u32 $0x7, v11;
	v12 =	vand.u32 $0xFFFFFFF0, v50  }
0x2f: {  	v11 =	vor.u32 v11, v12  }
0x30: {  	v12 =	vperm.xlane v11, v8;
	_ =	sdelay $0x1  }
0x31: {  	v11 =	vperm.xlane v11, v10;
	v12 =	vadd.s32 v9, v12;
	_ =	sdelay $0x1  }
0x32: {  	v11 =	vadd.s32 v9, v11;
	_ =	sdelay $0x2  }
0x33: {  	[hbm4b:s4+s3] =	stream.indirect_vreg.scatter [tilespmem:s8], [sflag:$0x2], $0x80, v12, vm0, $0xb8;
	[tilespmem:$0x4280] =	vst v63  }
0x34: {  	_ = 	snop  }
0x35: {  	[hbm4b:s4+s3] =	stream.indirect_vreg.scatter [tilespmem:s9], [sflag:$0x2], $0x80, v11, vm0, $0xb8;
	[tilespmem:$0x4280] =	vst v63  }
0x36: {  	v11 =	vld [tilespmem:$0x90];
	_ =	sdelay $0x4  }
0x37: {  	v51 =	vshll.u32 v11, $0x1  }
0x38: {  	v11 =	vand.u32 $0x7, v11;
	v12 =	vand.u32 $0xFFFFFFF0, v51  }
0x39: {  	v11 =	vor.u32 v11, v12  }
0x3a: {  	v12 =	vperm.xlane v11, v8;
	_ =	sdelay $0x1  }
0x3b: {  	v11 =	vperm.xlane v11, v10;
	v12 =	vadd.s32 v9, v12;
	_ =	sdelay $0x1  }
0x3c: {  	v11 =	vadd.s32 v9, v11;
	_ =	sdelay $0x2  }
0x3d: {  	[hbm4b:s4+s3] =	stream.indirect_vreg.scatter [tilespmem:s10], [sflag:$0x2], $0x80, v12, vm0, $0xb8;
	[tilespmem:$0x4280] =	vst v63  }
0x3e: {  	_ = 	snop  }
0x3f: {  	[hbm4b:s4+s3] =	stream.indirect_vreg.scatter [tilespmem:s11], [sflag:$0x2], $0x80, v11, vm0, $0xb8;
	[tilespmem:$0x4280] =	vst v63  }
0x40: {  	v11 =	vld [tilespmem:$0x20];
	_ =	sdelay $0x4  }
0x41: {  	v52 =	vshll.u32 v11, $0x1  }
0x42: {  	v11 =	vand.u32 $0x7, v11;
	v12 =	vand.u32 $0xFFFFFFF0, v52  }
0x43: {  	v11 =	vor.u32 v11, v12  }
0x44: {  	v12 =	vperm.xlane v11, v8;
	_ =	sdelay $0x1  }
0x45: {  	v11 =	vperm.xlane v11, v10;
	v12 =	vadd.s32 v9, v12;
	_ =	sdelay $0x1  }
0x46: {  	v11 =	vadd.s32 v9, v11;
	_ =	sdelay $0x2  }
0x47: {  	[tilespmem:s13], [sflag:$0x1] =	stream.indirect_vreg.gather [hbm4b:s1+s3], $0x80, v12, vm0, $0xb8;
	[tilespmem:$0x4280] =	vst v63  }
0x48: {  	_ = 	snop  }
0x49: {  	[tilespmem:s14], [sflag:$0x1] =	stream.indirect_vreg.gather [hbm4b:s1+s3], $0x80, v11, vm0, $0xb8;
	[tilespmem:$0x4280] =	vst v63  }
0x4a: {  	v11 =	vld [tilespmem:$0x30];
	_ =	sdelay $0x4  }
0x4b: {  	v53 =	vshll.u32 v11, $0x1  }
0x4c: {  	v11 =	vand.u32 $0x7, v11;
	v12 =	vand.u32 $0xFFFFFFF0, v53  }
0x4d: {  	v11 =	vor.u32 v11, v12  }
0x4e: {  	v12 =	vperm.xlane v11, v8;
	_ =	sdelay $0x1  }
0x4f: {  	v11 =	vperm.xlane v11, v10;
	v12 =	vadd.s32 v9, v12;
	_ =	sdelay $0x1  }
0x50: {  	v11 =	vadd.s32 v9, v11;
	_ =	sdelay $0x2  }
0x51: {  	[tilespmem:s15], [sflag:$0x1] =	stream.indirect_vreg.gather [hbm4b:s1+s3], $0x80, v12, vm0, $0xb8;
	[tilespmem:$0x4280] =	vst v63  }
0x52: {  	_ = 	snop  }
0x53: {  	[tilespmem:s16], [sflag:$0x1] =	stream.indirect_vreg.gather [hbm4b:s1+s3], $0x80, v11, vm0, $0xb8;
	[tilespmem:$0x4280] =	vst v63  }
0x54: {  	_ =	swait.ge [sflag:s12], $0x2000  }
0x55: {  	[sflag:s12] =	ssyncset.done $0x0  }
0x56: {  	[sflag:s12] =	ssyncadd.s32 $0xFFFFE000  }
0x57: {  	v11 =	vld [tilespmem:$0x100];
	_ =	sdelay $0x4  }
0x58: {  	v54 =	vshll.u32 v11, $0x1  }
0x59: {  	v11 =	vand.u32 $0x7, v11;
	v12 =	vand.u32 $0xFFFFFFF0, v54  }
0x5a: {  	v11 =	vor.u32 v11, v12  }
0x5b: {  	v12 =	vperm.xlane v11, v8;
	_ =	sdelay $0x1  }
0x5c: {  	v11 =	vperm.xlane v11, v10;
	v12 =	vadd.s32 v9, v12;
	_ =	sdelay $0x1  }
0x5d: {  	v11 =	vadd.s32 v9, v11;
	_ =	sdelay $0x2  }
0x5e: {  	[hbm4b:s4+s3] =	stream.indirect_vreg.scatter [tilespmem:s13], [sflag:$0x3], $0x80, v12, vm0, $0xb8;
	[tilespmem:$0x4280] =	vst v63  }
0x5f: {  	_ = 	snop  }
0x60: {  	[hbm4b:s4+s3] =	stream.indirect_vreg.scatter [tilespmem:s14], [sflag:$0x3], $0x80, v11, vm0, $0xb8;
	[tilespmem:$0x4280] =	vst v63  }
0x61: {  	v11 =	vld [tilespmem:$0x110];
	_ =	sdelay $0x4  }
0x62: {  	v55 =	vshll.u32 v11, $0x1  }
0x63: {  	v11 =	vand.u32 $0x7, v11;
	v12 =	vand.u32 $0xFFFFFFF0, v55  }
0x64: {  	v11 =	vor.u32 v11, v12  }
0x65: {  	v12 =	vperm.xlane v11, v8;
	_ =	sdelay $0x1  }
0x66: {  	v11 =	vperm.xlane v11, v10;
	v12 =	vadd.s32 v9, v12;
	_ =	sdelay $0x1  }
0x67: {  	v11 =	vadd.s32 v9, v11;
	_ =	sdelay $0x2  }
0x68: {  	[hbm4b:s4+s3] =	stream.indirect_vreg.scatter [tilespmem:s15], [sflag:$0x3], $0x80, v12, vm0, $0xb8;
	[tilespmem:$0x4280] =	vst v63  }
0x69: {  	_ = 	snop  }
0x6a: {  	[hbm4b:s4+s3] =	stream.indirect_vreg.scatter [tilespmem:s16], [sflag:$0x3], $0x80, v11, vm0, $0xb8;
	[tilespmem:$0x4280] =	vst v63  }
0x6b: {  	_ =	swait.ge [sflag:s17], $0x2000  }
0x6c: {  	[sflag:s17] =	ssyncset.done $0x0  }
0x6d: {  	[sflag:s17] =	ssyncadd.s32 $0xFFFFE000  }
0x6e: {  	v11 =	vld [tilespmem:$0x40];
	_ =	sdelay $0x4  }
0x6f: {  	v56 =	vshll.u32 v11, $0x1  }
0x70: {  	v11 =	vand.u32 $0x7, v11;
	v12 =	vand.u32 $0xFFFFFFF0, v56  }
0x71: {  	v11 =	vor.u32 v11, v12  }
0x72: {  	v12 =	vperm.xlane v11, v8;
	_ =	sdelay $0x1  }
0x73: {  	v11 =	vperm.xlane v11, v10;
	v12 =	vadd.s32 v9, v12;
	_ =	sdelay $0x1  }
0x74: {  	v11 =	vadd.s32 v9, v11;
	_ =	sdelay $0x2  }
0x75: {  	[tilespmem:s8], [sflag:$0x1] =	stream.indirect_vreg.gather [hbm4b:s1+s3], $0x80, v12, vm0, $0xb8;
	[tilespmem:$0x4280] =	vst v63  }
0x76: {  	_ = 	snop  }
0x77: {  	[tilespmem:s9], [sflag:$0x1] =	stream.indirect_vreg.gather [hbm4b:s1+s3], $0x80, v11, vm0, $0xb8;
	[tilespmem:$0x4280] =	vst v63  }
0x78: {  	v11 =	vld [tilespmem:$0x50];
	_ =	sdelay $0x4  }
0x79: {  	v57 =	vshll.u32 v11, $0x1  }
0x7a: {  	v11 =	vand.u32 $0x7, v11;
	v12 =	vand.u32 $0xFFFFFFF0, v57  }
0x7b: {  	v11 =	vor.u32 v11, v12  }
0x7c: {  	v12 =	vperm.xlane v11, v8;
	_ =	sdelay $0x1  }
0x7d: {  	v11 =	vperm.xlane v11, v10;
	v12 =	vadd.s32 v9, v12;
	_ =	sdelay $0x1  }
0x7e: {  	v11 =	vadd.s32 v9, v11;
	_ =	sdelay $0x2  }
0x7f: {  	[tilespmem:s10], [sflag:$0x1] =	stream.indirect_vreg.gather [hbm4b:s1+s3], $0x80, v12, vm0, $0xb8;
	[tilespmem:$0x4280] =	vst v63  }
0x80: {  	_ = 	snop  }
0x81: {  	[tilespmem:s11], [sflag:$0x1] =	stream.indirect_vreg.gather [hbm4b:s1+s3], $0x80, v11, vm0, $0xb8;
	[tilespmem:$0x4280] =	vst v63  }
0x82: {  	_ =	swait.ge [sflag:s12], $0x2000  }
0x83: {  	[sflag:s12] =	ssyncset.done $0x0  }
0x84: {  	[sflag:s12] =	ssyncadd.s32 $0xFFFFE000  }
0x85: {  	v11 =	vld [tilespmem:$0x180];
	_ =	sdelay $0x4  }
0x86: {  	v58 =	vshll.u32 v11, $0x1  }
0x87: {  	v11 =	vand.u32 $0x7, v11;
	v12 =	vand.u32 $0xFFFFFFF0, v58  }
0x88: {  	v11 =	vor.u32 v11, v12  }
0x89: {  	v12 =	vperm.xlane v11, v8;
	_ =	sdelay $0x1  }
0x8a: {  	v11 =	vperm.xlane v11, v10;
	v12 =	vadd.s32 v9, v12;
	_ =	sdelay $0x1  }
0x8b: {  	v11 =	vadd.s32 v9, v11;
	_ =	sdelay $0x2  }
0x8c: {  	[hbm4b:s4+s3] =	stream.indirect_vreg.scatter [tilespmem:s8], [sflag:$0x2], $0x80, v12, vm0, $0xb8;
	[tilespmem:$0x4280] =	vst v63  }
0x8d: {  	_ = 	snop  }
0x8e: {  	[hbm4b:s4+s3] =	stream.indirect_vreg.scatter [tilespmem:s9], [sflag:$0x2], $0x80, v11, vm0, $0xb8;
	[tilespmem:$0x4280] =	vst v63  }
0x8f: {  	v11 =	vld [tilespmem:$0x190];
	_ =	sdelay $0x4  }
0x90: {  	v59 =	vshll.u32 v11, $0x1  }
0x91: {  	v11 =	vand.u32 $0x7, v11;
	v12 =	vand.u32 $0xFFFFFFF0, v59  }
0x92: {  	v11 =	vor.u32 v11, v12  }
0x93: {  	v12 =	vperm.xlane v11, v8;
	_ =	sdelay $0x1  }
0x94: {  	v11 =	vperm.xlane v11, v10;
	v12 =	vadd.s32 v9, v12;
	_ =	sdelay $0x1  }
0x95: {  	v11 =	vadd.s32 v9, v11;
	_ =	sdelay $0x2  }
0x96: {  	[hbm4b:s4+s3] =	stream.indirect_vreg.scatter [tilespmem:s10], [sflag:$0x2], $0x80, v12, vm0, $0xb8;
	[tilespmem:$0x4280] =	vst v63  }
0x97: {  	_ = 	snop  }
0x98: {  	[hbm4b:s4+s3] =	stream.indirect_vreg.scatter [tilespmem:s11], [sflag:$0x2], $0x80, v11, vm0, $0xb8;
	[tilespmem:$0x4280] =	vst v63  }
0x99: {  	_ =	swait.ge [sflag:s18], $0x2000  }
0x9a: {  	[sflag:s18] =	ssyncset.done $0x0  }
0x9b: {  	[sflag:s18] =	ssyncadd.s32 $0xFFFFE000  }
0x9c: {  	v11 =	vld [tilespmem:$0x60];
	_ =	sdelay $0x4  }
0x9d: {  	v60 =	vshll.u32 v11, $0x1  }
0x9e: {  	v11 =	vand.u32 $0x7, v11;
	v12 =	vand.u32 $0xFFFFFFF0, v60  }
0x9f: {  	v11 =	vor.u32 v11, v12  }
0xa0: {  	v12 =	vperm.xlane v11, v8;
	_ =	sdelay $0x1  }
0xa1: {  	v11 =	vperm.xlane v11, v10;
	v12 =	vadd.s32 v9, v12;
	_ =	sdelay $0x1  }
0xa2: {  	v11 =	vadd.s32 v9, v11;
	_ =	sdelay $0x2  }
0xa3: {  	[tilespmem:s13], [sflag:$0x1] =	stream.indirect_vreg.gather [hbm4b:s1+s3], $0x80, v12, vm0, $0xb8;
	[tilespmem:$0x4280] =	vst v63  }
0xa4: {  	_ = 	snop  }
0xa5: {  	[tilespmem:s14], [sflag:$0x1] =	stream.indirect_vreg.gather [hbm4b:s1+s3], $0x80, v11, vm0, $0xb8;
	[tilespmem:$0x4280] =	vst v63  }
0xa6: {  	v11 =	vld [tilespmem:$0x70];
	_ =	sdelay $0x4  }
0xa7: {  	v61 =	vshll.u32 v11, $0x1  }
0xa8: {  	v11 =	vand.u32 $0x7, v11;
	v12 =	vand.u32 $0xFFFFFFF0, v61  }
0xa9: {  	v11 =	vor.u32 v11, v12  }
0xaa: {  	v12 =	vperm.xlane v11, v8;
	_ =	sdelay $0x1  }
0xab: {  	v11 =	vperm.xlane v11, v10;
	v12 =	vadd.s32 v9, v12;
	_ =	sdelay $0x1  }
0xac: {  	v11 =	vadd.s32 v9, v11;
	_ =	sdelay $0x2  }
0xad: {  	[tilespmem:s15], [sflag:$0x1] =	stream.indirect_vreg.gather [hbm4b:s1+s3], $0x80, v12, vm0, $0xb8;
	[tilespmem:$0x4280] =	vst v63  }
0xae: {  	_ = 	snop  }
0xaf: {  	[tilespmem:s16], [sflag:$0x1] =	stream.indirect_vreg.gather [hbm4b:s1+s3], $0x80, v11, vm0, $0xb8;
	[tilespmem:$0x4280] =	vst v63  }
0xb0: {  	_ =	swait.ge [sflag:s12], $0x2000  }
0xb1: {  	[sflag:s12] =	ssyncset.done $0x0  }
0xb2: {  	[sflag:s12] =	ssyncadd.s32 $0xFFFFE000  }
0xb3: {  	v11 =	vld [tilespmem:$0x200];
	_ =	sdelay $0x4  }
0xb4: {  	v62 =	vshll.u32 v11, $0x1  }
0xb5: {  	v11 =	vand.u32 $0x7, v11;
	v12 =	vand.u32 $0xFFFFFFF0, v62  }
0xb6: {  	v11 =	vor.u32 v11, v12  }
0xb7: {  	v12 =	vperm.xlane v11, v8;
	_ =	sdelay $0x1  }
0xb8: {  	v11 =	vperm.xlane v11, v10;
	v12 =	vadd.s32 v9, v12;
	_ =	sdelay $0x1  }
0xb9: {  	v11 =	vadd.s32 v9, v11;
	_ =	sdelay $0x2  }
0xba: {  	[hbm4b:s4+s3] =	stream.indirect_vreg.scatter [tilespmem:s13], [sflag:$0x3], $0x80, v12, vm0, $0xb8;
	[tilespmem:$0x4280] =	vst v63  }
0xbb: {  	_ = 	snop  }
0xbc: {  	[hbm4b:s4+s3] =	stream.indirect_vreg.scatter [tilespmem:s14], [sflag:$0x3], $0x80, v11, vm0, $0xb8;
	[tilespmem:$0x4280] =	vst v63  }
0xbd: {  	v11 =	vld [tilespmem:$0x210];
	_ =	sdelay $0x4  }
0xbe: {  	v63 =	vshll.u32 v11, $0x1  }
0xbf: {  	v11 =	vand.u32 $0x7, v11;
	v12 =	vand.u32 $0xFFFFFFF0, v63  }
0xc0: {  	v11 =	vor.u32 v11, v12  }
0xc1: {  	v12 =	vperm.xlane v11, v8;
	_ =	sdelay $0x1  }
0xc2: {  	v11 =	vperm.xlane v11, v10;
	v12 =	vadd.s32 v9, v12;
	_ =	sdelay $0x1  }
0xc3: {  	v11 =	vadd.s32 v9, v11;
	_ =	sdelay $0x2  }
0xc4: {  	[hbm4b:s4+s3] =	stream.indirect_vreg.scatter [tilespmem:s15], [sflag:$0x3], $0x80, v12, vm0, $0xb8;
	[tilespmem:$0x4280] =	vst v63  }
0xc5: {  	_ = 	snop  }
0xc6: {  	[hbm4b:s4+s3] =	stream.indirect_vreg.scatter [tilespmem:s16], [sflag:$0x3], $0x80, v11, vm0, $0xb8;
	[tilespmem:$0x4280] =	vst v63  }
0xc7: {  	p0 =	sne.s32 s6, $0x1;
	_ =	swait.ge [sflag:s17], $0x2000  }
.Ltmp0:
0xc8: {  	[sflag:s17] =	ssyncset.done $0x0;
	(pc) =	sbr.rel @p0 .LBB2_1-.Ltmp0, $4  }
0xc9: {  	[sflag:s17] =	ssyncadd.s32 $0xFFFFE000  }
0xca: {  	_ =	swait.ge [sflag:s18], $0x2000  }
0xcb: {  	[sflag:s18] =	ssyncset.done $0x0  }
0xcc: {  	s6 =	sadd.s32 $0xFFFFFFFF, s6;
	[sflag:s18] =	ssyncadd.s32 $0xFFFFE000  }
0xcd: {  	_ =	sfence.sel $0x180000  }
0xce: {  	[bflag:$0x0] =	sbarrier.arrive $0xFFFF  }
0xcf: {  	p0 =	sne.s32 s0, $0x0;
	_ =	strace $0x90000047  }
0xd0: {  	s0 =	sadd.s32 @!p0 $0x100000, s2;
	[bflag:$0x2] =	sbarrier.arrive $0xFFFF  }
0xd1: {  	[sflag:s0] =	ssyncadd.tile.s32 @!p0 $0x1;
	_ =	shalt  }
.Lfunc_end2:
_tile_overlayer_lowered:
.L_overlay_start_2:
0xd2: {  	(tag) =	ssettag $0x2  }
0xd3: {  	s0 =	rddreg [dreg:$0x0];
	s2 =	stileid.u32  }
0xd4: {  	s1 =	rddreg [dreg:$0x1];
	p0 =	sne.s32 s2, $0x0  }
0xd5: {  	s3 =	rddreg [dreg:$0x2];
	[bflag:$0x3] =	sbarrier.arrive $0xFFFF;
	s2 =	simm.s32 @!p0 $0x1C04  }
0xd6: {  	[timem:s3], [sflag:s2] =	dma.local @!p0 [hbm:s0], s1  }
0xd7: {  	s0 =	simm.s32 @!p0 $0x4  }
0xd8: {  	_ =	swait.ge @!p0 [sflag:s0], s1  }
0xd9: {  	s1 =	ssub.s32 @!p0 $0x0, s1;
	[sflag:s0] =	ssyncset.done @!p0 $0x0  }
0xda: {  	[sflag:s0] =	ssyncadd.s32 @!p0 s1  }
0xdb: {  	[bflag:$0x3] =	sbarrier.arrive $0xFFFF  }
0xdc: {  	_ =	shalt  }

</sc_bundles>
